<compile_context>
chip_gen: v7x
topology: tpu7x:2x2x1
jax: 0.10.2.dev20260603
libtpu: 0.0.44.dev20260713+nightly
codegen_flags: <defaults>
</compile_context>

<pallas_src>
import functools

import jax
import jax.numpy as jnp
from jax import lax
from jax.experimental import pallas as pl
from jax.experimental.pallas import tpu as pltpu
from jax.experimental.pallas import tpu_sc as plsc

_S = 128
_L = 16
_BLK = 128
_HROWS = 129


def _build(R, NB):
    NW = 32
    rays_per_w = R // NW
    n_blk = rays_per_w // _BLK
    NWT = NB - 1
    mesh = plsc.VectorSubcoreMesh(core_axis_name="c", subcore_axis_name="s")

    @functools.partial(
        pl.kernel,
        mesh=mesh,
        compiler_params=pltpu.CompilerParams(needs_layout_passes=False),
        out_type=jax.ShapeDtypeStruct((R * _S,), jnp.float32),
        scratch_types=[
            pltpu.VMEM((_BLK * NWT,), jnp.float32),
            pltpu.VMEM((_BLK * NB,), jnp.float32),
            pltpu.VMEM((_BLK * NWT,), jnp.float32),
            pltpu.VMEM((_BLK * NB,), jnp.float32),
            pltpu.VMEM((_BLK * _S,), jnp.float32),
            pltpu.VMEM((_BLK * _S,), jnp.float32),
            pltpu.VMEM((NB * 2 * _L,), jnp.float32),
            pltpu.VMEM((_HROWS * _L,), jnp.int32),
            pltpu.SemaphoreType.DMA,
            pltpu.SemaphoreType.DMA,
            pltpu.SemaphoreType.DMA,
            pltpu.SemaphoreType.DMA,
        ],
    )
    def k(bins_hbm, w_hbm, out_hbm, wbuf0, bbuf0, wbuf1, bbuf1, obuf0, obuf1,
          pq, hist, sem0, sem1, semo0, semo1):
        wid = lax.axis_index("c") * 16 + lax.axis_index("s")
        lane = lax.iota(jnp.int32, _L)
        ones_i = jnp.ones((_L,), jnp.int32)
        zeros_f = jnp.zeros((_L,), jnp.float32)
        zeros_i = jnp.zeros((_L,), jnp.int32)
        u0 = jnp.full((_L,), 1.0 / (2.0 * _S), jnp.float32)
        du = 1.0 / _S

        def start_in(b, wb, bb, sem):
            base = (wid * n_blk + b) * _BLK
            pltpu.async_copy(w_hbm.at[pl.ds(base * NWT, _BLK * NWT)], wb, sem)
            pltpu.async_copy(bins_hbm.at[pl.ds(base * NB, _BLK * NB)], bb, sem)

        def wait_in(wb, bb, sem):
            pltpu.make_async_copy(
                w_hbm.at[pl.ds(0, _BLK * NWT)], wb, sem).wait()
            pltpu.make_async_copy(
                bins_hbm.at[pl.ds(0, _BLK * NB)], bb, sem).wait()

        def wait_out(ob, semo):
            pltpu.make_async_copy(
                ob, out_hbm.at[pl.ds(0, _BLK * _S)], semo).wait()

        def compute_block(b, wbuf, bbuf, obuf, semo, wait_prev):
            @pl.when(wait_prev)
            def _():
                wait_out(obuf, semo)

            def group_body(g, _):
                rows_w = (g * _L + lane) * NWT
                rows_b = (g * _L + lane) * NB
                rows_o = (g * _L + lane) * _S

                b0 = plsc.load_gather(bbuf, [rows_b])

                @plsc.parallel_loop(0, NWT, carry=(zeros_f, b0), unroll=9)
                def p1(i, carry):
                    acc, pb = carry
                    w = plsc.load_gather(wbuf, [rows_w + i])
                    nb = plsc.load_gather(bbuf, [rows_b + (i + 1)])
                    pu = w + 1e-5
                    qu = (nb - pb) / pu
                    pq[pl.ds(i * 2 * _L, _L)] = pb - acc * qu
                    pq[pl.ds(i * 2 * _L + _L, _L)] = qu
                    hist[pl.ds(i * _L, _L)] = zeros_i
                    return acc + pu, nb

                total, blast = p1
                s128 = float(_S) / total

                pq[pl.ds(NWT * 2 * _L, _L)] = blast
                pq[pl.ds(NWT * 2 * _L + _L, _L)] = zeros_f
                hist[pl.ds(NWT * _L, _L)] = zeros_i
                hist[pl.ds((NWT + 1) * _L, _L)] = zeros_i
                hist[pl.ds((NWT + 2) * _L, _L)] = zeros_i

                @plsc.parallel_loop(0, NWT, carry=zeros_f, unroll=9)
                def p2(i, acc):
                    acc = acc + (plsc.load_gather(wbuf, [rows_w + i]) + 1e-5)
                    m = _S - ((_S + 0.5) - acc * s128).astype(jnp.int32)
                    plsc.addupdate_scatter(hist, [m * _L + lane], ones_i)
                    return acc

                del p2

                @plsc.parallel_loop(0, _S, carry=(zeros_i, u0), unroll=16)
                def p3(j, carry):
                    acc, u = carry
                    bl = acc + hist[pl.ds(j * _L, _L)]
                    idx = bl * (2 * _L) + lane
                    pv = plsc.load_gather(pq, [idx])
                    qv = plsc.load_gather(pq, [idx + _L])
                    sv = pv + (u * total) * qv
                    plsc.store_scatter(obuf, [rows_o + j], sv)
                    return bl, u + du

                del p3
                return 0

            lax.fori_loop(0, _BLK // _L, group_body, 0)
            base = (wid * n_blk + b) * _BLK
            pltpu.async_copy(
                obuf, out_hbm.at[pl.ds(base * _S, _BLK * _S)], semo)

        start_in(0, wbuf0, bbuf0, sem0)

        def pair_body(t, _):
            b = 2 * t
            wait_in(wbuf0, bbuf0, sem0)
            start_in(b + 1, wbuf1, bbuf1, sem1)
            compute_block(b, wbuf0, bbuf0, obuf0, semo0, t > 0)
            wait_in(wbuf1, bbuf1, sem1)

            @pl.when(t < n_blk // 2 - 1)
            def _():
                start_in(b + 2, wbuf0, bbuf0, sem0)

            compute_block(b + 1, wbuf1, bbuf1, obuf1, semo1, t > 0)
            return 0

        lax.fori_loop(0, n_blk // 2, pair_body, 0)
        wait_out(obuf0, semo0)
        wait_out(obuf1, semo1)

    return k


def kernel(bins, weights, n_samples):
    R, NB = bins.shape
    out = _build(R, NB)(bins.reshape(-1), weights.reshape(-1))
    return out.reshape(R, _S)

# --- scband reference (transcript-rebuilt; emitter-appended) ---
"""Pipeline reference for scband-palette-renderer-23811298689906 (READ-ONLY COPY).

The authoritative reference and input builder live on the scoring server;
editing this copy changes nothing except your own understanding.
"""

import jax, jax.numpy as jnp
import numpy as np

N_RAYS = 65536
NUM_BINS = 127  # = num_steps - 1 (z_vals_mid)
N_SAMPLES = 128  # upsample_steps


def setup_inputs(seed: int = 0) -> dict:
    key = jax.random.key(seed)
    k1, k2 = jax.random.split(key)
    # bins = z_vals_mid: monotonically increasing depth values along each ray
    bins = jnp.sort(jax.random.uniform(k1, (N_RAYS, NUM_BINS), dtype=jnp.float32) * 6.0 + 0.2, axis=-1)
    # weights = volume-rendering weights (interior slice), nonnegative
    weights = jax.random.uniform(k2, (N_RAYS, NUM_BINS - 1), dtype=jnp.float32)
    return {"bins": bins, "weights": weights, "n_samples": N_SAMPLES}


def reference(bins, weights, n_samples):
    # Faithful port of sample_pdf(bins, weights, n_samples, det=True)
    weights = weights + 1e-05
    pdf = weights / jnp.sum(weights, axis=-1, keepdims=True)
    cdf = jnp.cumsum(pdf, axis=-1)
    cdf = jnp.concatenate([jnp.zeros_like(cdf[..., :1]), cdf], axis=-1)  # [N, NUM_BINS]
    # det=True path (inference / not training): stratified midpoints
    u = jnp.linspace(0.0 + 0.5 / n_samples, 1.0 - 0.5 / n_samples, N_SAMPLES, dtype=jnp.float32)
    u = jnp.broadcast_to(u, cdf.shape[:-1] + (u.shape[-1],))  # [N, n_samples]
    # batched searchsorted (right)
    inds = jax.vmap(lambda c, uu: jnp.searchsorted(c, uu, side='right'))(cdf, u)
    below = jnp.maximum(jnp.zeros_like(inds - 1), inds - 1)
    above = jnp.minimum((cdf.shape[-1] - 1) * jnp.ones_like(inds), inds)
    inds_g = jnp.stack([below, above], axis=-1)  # [N, n_samples, 2]
    matched_shape = (inds_g.shape[0], inds_g.shape[1], cdf.shape[-1])
    cdf_exp = jnp.broadcast_to(cdf[:, None, :], matched_shape)
    bins_exp = jnp.broadcast_to(bins[:, None, :], matched_shape)
    cdf_g = jnp.take_along_axis(cdf_exp, inds_g, axis=2)
    bins_g = jnp.take_along_axis(bins_exp, inds_g, axis=2)
    denom = cdf_g[..., 1] - cdf_g[..., 0]
    denom = jnp.where(denom < 1e-05, jnp.ones_like(denom), denom)
    t = (u - cdf_g[..., 0]) / denom
    samples = bins_g[..., 0] + t * (bins_g[..., 1] - bins_g[..., 0])
    return samples

if __name__ == "__main__":
    import jax
    _d = setup_inputs()
    print(jax.jit(kernel)(*tuple(_d.values())))

</pallas_src>

<mosaic_0001>
#map = affine_map<(d0, d1) -> (0)>
module attributes {stable_mosaic.version = 14 : i64} {
  func.func @k(%arg0: i32, %arg1: i32, %arg2: memref<8323072xf32, #tpu.memory_space<hbm>>, %arg3: memref<8257536xf32, #tpu.memory_space<hbm>>, %arg4: memref<8388608xf32, #tpu.memory_space<hbm>>, %arg5: memref<16128xf32, #tpu.memory_space<vmem>>, %arg6: memref<16256xf32, #tpu.memory_space<vmem>>, %arg7: memref<16128xf32, #tpu.memory_space<vmem>>, %arg8: memref<16256xf32, #tpu.memory_space<vmem>>, %arg9: memref<16384xf32, #tpu.memory_space<vmem>>, %arg10: memref<16384xf32, #tpu.memory_space<vmem>>, %arg11: memref<4064xf32, #tpu.memory_space<vmem>>, %arg12: memref<2064xi32, #tpu.memory_space<vmem>>, %arg13: memref<!tpu.dma_semaphore, #tpu.memory_space<semaphore_mem>>, %arg14: memref<!tpu.dma_semaphore, #tpu.memory_space<semaphore_mem>>, %arg15: memref<!tpu.dma_semaphore, #tpu.memory_space<semaphore_mem>>, %arg16: memref<!tpu.dma_semaphore, #tpu.memory_space<semaphore_mem>>) attributes {dimension_semantics = [#tpu.dimension_semantics<core_parallel>, #tpu.dimension_semantics<subcore_parallel>], iteration_bounds = array<i64: 2, 16>, scalar_prefetch = 0 : i64, scratch_operands = 12 : i64, tpu.core_type = #tpu.core_type<sc_vector_subcore>, window_params = [{transform_indices = #map}, {transform_indices = #map}, {transform_indices = #map}]} {
    %mul3A = arith.constant 16 : i32
    %mul3A_0 = arith.muli %arg0, %mul3A : i32
    %add3A = arith.addi %mul3A_0, %arg1 : i32
    %iota3A = tpu.iota {dimensions = array<i32: 0>} : vector<16xi32>
    %broadcast_in_dim3A = arith.constant 1 : i32
    %broadcast_in_dim3A_1 = vector.broadcast %broadcast_in_dim3A : i32 to vector<16xi32>
    %broadcast_in_dim3A_2 = arith.constant 0.000000e+00 : f32
    %broadcast_in_dim3A_3 = vector.broadcast %broadcast_in_dim3A_2 : f32 to vector<16xf32>
    %broadcast_in_dim3A_4 = arith.constant 0 : i32
    %broadcast_in_dim3A_5 = vector.broadcast %broadcast_in_dim3A_4 : i32 to vector<16xi32>
    %broadcast_in_dim3A_6 = arith.constant 3.906250e-03 : f32
    %broadcast_in_dim3A_7 = vector.broadcast %broadcast_in_dim3A_6 : f32 to vector<16xf32>
    %mul3A_8 = arith.constant 16 : i32
    %mul3A_9 = arith.muli %add3A, %mul3A_8 : i32
    %add3A_10 = arith.constant 0 : i32
    %add3A_11 = arith.addi %mul3A_9, %add3A_10 : i32
    %mul3A_12 = arith.constant 128 : i32
    %mul3A_13 = arith.muli %add3A_11, %mul3A_12 : i32
    %mul3A_14 = arith.constant 126 : i32
    %mul3A_15 = arith.muli %mul3A_13, %mul3A_14 : i32
    %dma_start3A = tpu.memref_slice %arg3[%mul3A_15] : memref<8257536xf32, #tpu.memory_space<hbm>> -> memref<16128xf32, #tpu.memory_space<hbm>>
    %dma_start3A_16 = tpu.memref_slice %arg3[%mul3A_15] : memref<8257536xf32, #tpu.memory_space<hbm>> -> memref<16128xf32, #tpu.memory_space<hbm>>
    tpu.enqueue_dma source(%dma_start3A_16 : memref<16128xf32, #tpu.memory_space<hbm>>) target(%arg5 : memref<16128xf32, #tpu.memory_space<vmem>>) target_semaphore(%arg13 : memref<!tpu.dma_semaphore, #tpu.memory_space<semaphore_mem>>)
    %mul3A_17 = arith.constant 127 : i32
    %mul3A_18 = arith.muli %mul3A_13, %mul3A_17 : i32
    %dma_start3A_19 = tpu.memref_slice %arg2[%mul3A_18] : memref<8323072xf32, #tpu.memory_space<hbm>> -> memref<16256xf32, #tpu.memory_space<hbm>>
    %dma_start3A_20 = tpu.memref_slice %arg2[%mul3A_18] : memref<8323072xf32, #tpu.memory_space<hbm>> -> memref<16256xf32, #tpu.memory_space<hbm>>
    tpu.enqueue_dma source(%dma_start3A_20 : memref<16256xf32, #tpu.memory_space<hbm>>) target(%arg6 : memref<16256xf32, #tpu.memory_space<vmem>>) target_semaphore(%arg13 : memref<!tpu.dma_semaphore, #tpu.memory_space<semaphore_mem>>)
    %scan3A = arith.constant 0 : i32
    %scan3A_21 = arith.constant 0 : i32
    %scan3A_22 = arith.constant 8 : i32
    %scan3A_23 = arith.addi %scan3A_21, %scan3A_22 : i32
    %scan3A_24 = arith.constant 1 : i32
    %scan3A_25 = scf.for %scan3A_34 = %scan3A_21 to %scan3A_23 step %scan3A_24 iter_args(%scan3A_35 = %scan3A) -> (i32)  : i32 {
      %mul3A_36 = arith.constant 2 : i32
      %mul3A_37 = arith.muli %mul3A_36, %scan3A_34 : i32
      %dma_wait3A_38 = arith.constant 0 : i32
      %dma_wait3A_39 = tpu.memref_slice %arg3[%dma_wait3A_38] : memref<8257536xf32, #tpu.memory_space<hbm>> -> memref<16128xf32, #tpu.memory_space<hbm>>
      %dma_wait3A_40 = arith.constant 0 : i32
      %dma_wait3A_41 = tpu.memref_slice %arg3[%dma_wait3A_40] : memref<8257536xf32, #tpu.memory_space<hbm>> -> memref<16128xf32, #tpu.memory_space<hbm>>
      tpu.wait_dma2 semaphore(%arg13 : memref<!tpu.dma_semaphore, #tpu.memory_space<semaphore_mem>>) src(%dma_wait3A_41 : memref<16128xf32, #tpu.memory_space<hbm>>) dst(%arg5 : memref<16128xf32, #tpu.memory_space<vmem>>)
      %dma_wait3A_42 = arith.constant 0 : i32
      %dma_wait3A_43 = tpu.memref_slice %arg2[%dma_wait3A_42] : memref<8323072xf32, #tpu.memory_space<hbm>> -> memref<16256xf32, #tpu.memory_space<hbm>>
      %dma_wait3A_44 = arith.constant 0 : i32
      %dma_wait3A_45 = tpu.memref_slice %arg2[%dma_wait3A_44] : memref<8323072xf32, #tpu.memory_space<hbm>> -> memref<16256xf32, #tpu.memory_space<hbm>>
      tpu.wait_dma2 semaphore(%arg13 : memref<!tpu.dma_semaphore, #tpu.memory_space<semaphore_mem>>) src(%dma_wait3A_45 : memref<16256xf32, #tpu.memory_space<hbm>>) dst(%arg6 : memref<16256xf32, #tpu.memory_space<vmem>>)
      %add3A_46 = arith.constant 1 : i32
      %add3A_47 = arith.addi %mul3A_37, %add3A_46 : i32
      %mul3A_48 = arith.constant 16 : i32
      %mul3A_49 = arith.muli %add3A, %mul3A_48 : i32
      %add3A_50 = arith.addi %mul3A_49, %add3A_47 : i32
      %mul3A_51 = arith.constant 128 : i32
      %mul3A_52 = arith.muli %add3A_50, %mul3A_51 : i32
      %mul3A_53 = arith.constant 126 : i32
      %mul3A_54 = arith.muli %mul3A_52, %mul3A_53 : i32
      %dma_start3A_55 = tpu.memref_slice %arg3[%mul3A_54] : memref<8257536xf32, #tpu.memory_space<hbm>> -> memref<16128xf32, #tpu.memory_space<hbm>>
      %dma_start3A_56 = tpu.memref_slice %arg3[%mul3A_54] : memref<8257536xf32, #tpu.memory_space<hbm>> -> memref<16128xf32, #tpu.memory_space<hbm>>
      tpu.enqueue_dma source(%dma_start3A_56 : memref<16128xf32, #tpu.memory_space<hbm>>) target(%arg7 : memref<16128xf32, #tpu.memory_space<vmem>>) target_semaphore(%arg14 : memref<!tpu.dma_semaphore, #tpu.memory_space<semaphore_mem>>)
      %mul3A_57 = arith.constant 127 : i32
      %mul3A_58 = arith.muli %mul3A_52, %mul3A_57 : i32
      %dma_start3A_59 = tpu.memref_slice %arg2[%mul3A_58] : memref<8323072xf32, #tpu.memory_space<hbm>> -> memref<16256xf32, #tpu.memory_space<hbm>>
      %dma_start3A_60 = tpu.memref_slice %arg2[%mul3A_58] : memref<8323072xf32, #tpu.memory_space<hbm>> -> memref<16256xf32, #tpu.memory_space<hbm>>
      tpu.enqueue_dma source(%dma_start3A_60 : memref<16256xf32, #tpu.memory_space<hbm>>) target(%arg8 : memref<16256xf32, #tpu.memory_space<vmem>>) target_semaphore(%arg14 : memref<!tpu.dma_semaphore, #tpu.memory_space<semaphore_mem>>)
      %gt3A = arith.constant 0 : i32
      %gt3A_61 = arith.cmpi sgt, %scan3A_34, %gt3A : i32
      %convert_element_type3A = arith.extui %gt3A_61 : i1 to i32
      %cond3A = arith.constant 0 : i32
      %cond3A_62 = arith.cmpi ne, %convert_element_type3A, %cond3A : i32
      scf.if %cond3A_62 {
        %dma_wait3A_115 = arith.constant 0 : i32
        %dma_wait3A_116 = tpu.memref_slice %arg4[%dma_wait3A_115] : memref<8388608xf32, #tpu.memory_space<hbm>> -> memref<16384xf32, #tpu.memory_space<hbm>>
        %dma_wait3A_117 = arith.constant 0 : i32
        %dma_wait3A_118 = tpu.memref_slice %arg4[%dma_wait3A_117] : memref<8388608xf32, #tpu.memory_space<hbm>> -> memref<16384xf32, #tpu.memory_space<hbm>>
        tpu.wait_dma2 semaphore(%arg15 : memref<!tpu.dma_semaphore, #tpu.memory_space<semaphore_mem>>) src(%arg9 : memref<16384xf32, #tpu.memory_space<vmem>>) dst(%dma_wait3A_118 : memref<16384xf32, #tpu.memory_space<hbm>>)
      } else {
      }
      %scan3A_63 = arith.constant 0 : i32
      %scan3A_64 = arith.constant 0 : i32
      %scan3A_65 = arith.constant 8 : i32
      %scan3A_66 = arith.addi %scan3A_64, %scan3A_65 : i32
      %scan3A_67 = arith.constant 1 : i32
      %scan3A_68 = scf.for %scan3A_115 = %scan3A_64 to %scan3A_66 step %scan3A_67 iter_args(%scan3A_116 = %scan3A_63) -> (i32)  : i32 {
        %mul3A_117 = arith.constant 16 : i32
        %mul3A_118 = arith.muli %scan3A_115, %mul3A_117 : i32
        %add3A_119 = vector.broadcast %mul3A_118 : i32 to vector<16xi32>
        %add3A_120 = arith.addi %add3A_119, %iota3A : vector<16xi32>
        %mul3A_121 = arith.constant 126 : i32
        %mul3A_122 = vector.broadcast %mul3A_121 : i32 to vector<16xi32>
        %mul3A_123 = arith.muli %add3A_120, %mul3A_122 : vector<16xi32>
        %mul3A_124 = arith.constant 16 : i32
        %mul3A_125 = arith.muli %scan3A_115, %mul3A_124 : i32
        %add3A_126 = vector.broadcast %mul3A_125 : i32 to vector<16xi32>
        %add3A_127 = arith.addi %add3A_126, %iota3A : vector<16xi32>
        %mul3A_128 = arith.constant 127 : i32
        %mul3A_129 = vector.broadcast %mul3A_128 : i32 to vector<16xi32>
        %mul3A_130 = arith.muli %add3A_127, %mul3A_129 : vector<16xi32>
        %mul3A_131 = arith.constant 16 : i32
        %mul3A_132 = arith.muli %scan3A_115, %mul3A_131 : i32
        %add3A_133 = vector.broadcast %mul3A_132 : i32 to vector<16xi32>
        %add3A_134 = arith.addi %add3A_133, %iota3A : vector<16xi32>
        %mul3A_135 = arith.constant 128 : i32
        %mul3A_136 = vector.broadcast %mul3A_135 : i32 to vector<16xi32>
        %mul3A_137 = arith.muli %add3A_134, %mul3A_136 : vector<16xi32>
        %gather3A = tpu.vector_load_idx %arg6[%mul3A_130] : memref<16256xf32, #tpu.memory_space<vmem>>[vector<16xi32>], vector<16xf32>,
        %parallel_loop3A = arith.constant 0 : i32
        %parallel_loop3A_138 = arith.constant 126 : i32
        %parallel_loop3A_139 = arith.constant 1 : i32
        %parallel_loop3A_140:2 = scf.for %parallel_loop3A_161 = %parallel_loop3A to %parallel_loop3A_138 step %parallel_loop3A_139 iter_args(%parallel_loop3A_162 = %broadcast_in_dim3A_3, %parallel_loop3A_163 = %gather3A) -> (vector<16xf32>, vector<16xf32>)  : i32 {
          %parallel_loop3A_164 = vector.broadcast %parallel_loop3A_161 : i32 to vector<16xi32>
          %parallel_loop3A_165 = arith.addi %mul3A_123, %parallel_loop3A_164 : vector<16xi32>
          %parallel_loop3A_166 = tpu.vector_load_idx %arg5[%parallel_loop3A_165] : memref<16128xf32, #tpu.memory_space<vmem>>[vector<16xi32>], vector<16xf32>,
          %parallel_loop3A_167 = arith.constant 1 : i32
          %parallel_loop3A_168 = arith.addi %parallel_loop3A_161, %parallel_loop3A_167 : i32
          %parallel_loop3A_169 = vector.broadcast %parallel_loop3A_168 : i32 to vector<16xi32>
          %parallel_loop3A_170 = arith.addi %mul3A_130, %parallel_loop3A_169 : vector<16xi32>
          %parallel_loop3A_171 = tpu.vector_load_idx %arg6[%parallel_loop3A_170] : memref<16256xf32, #tpu.memory_space<vmem>>[vector<16xi32>], vector<16xf32>,
          %parallel_loop3A_172 = arith.constant 9.99999974E-6 : f32
          %parallel_loop3A_173 = vector.broadcast %parallel_loop3A_172 : f32 to vector<16xf32>
          %parallel_loop3A_174 = arith.addf %parallel_loop3A_166, %parallel_loop3A_173 : vector<16xf32>
          %parallel_loop3A_175 = arith.subf %parallel_loop3A_171, %parallel_loop3A_163 : vector<16xf32>
          %parallel_loop3A_176 = arith.divf %parallel_loop3A_175, %parallel_loop3A_174 : vector<16xf32>
          %parallel_loop3A_177 = arith.mulf %parallel_loop3A_162, %parallel_loop3A_176 : vector<16xf32>
          %parallel_loop3A_178 = arith.subf %parallel_loop3A_163, %parallel_loop3A_177 : vector<16xf32>
          %parallel_loop3A_179 = arith.constant 2 : i32
          %parallel_loop3A_180 = arith.muli %parallel_loop3A_161, %parallel_loop3A_179 : i32
          %parallel_loop3A_181 = arith.constant 16 : i32
          %parallel_loop3A_182 = arith.muli %parallel_loop3A_180, %parallel_loop3A_181 : i32
          %parallel_loop3A_183 = arith.index_cast %parallel_loop3A_182 : i32 to index
          %parallel_loop3A_184 = tpu.vector_load %arg11[%parallel_loop3A_183] {strides = array<i32>} : memref<4064xf32, #tpu.memory_space<vmem>>, vector<16xf32>,
          tpu.vector_store %arg11[%parallel_loop3A_183], %parallel_loop3A_178 {strides = array<i32>} : memref<4064xf32, #tpu.memory_space<vmem>>, vector<16xf32>,
          %parallel_loop3A_185 = arith.constant 2 : i32
          %parallel_loop3A_186 = arith.muli %parallel_loop3A_161, %parallel_loop3A_185 : i32
          %parallel_loop3A_187 = arith.constant 16 : i32
          %parallel_loop3A_188 = arith.muli %parallel_loop3A_186, %parallel_loop3A_187 : i32
          %parallel_loop3A_189 = arith.constant 16 : i32
          %parallel_loop3A_190 = arith.addi %parallel_loop3A_188, %parallel_loop3A_189 : i32
          %parallel_loop3A_191 = arith.index_cast %parallel_loop3A_190 : i32 to index
          %parallel_loop3A_192 = tpu.vector_load %arg11[%parallel_loop3A_191] {strides = array<i32>} : memref<4064xf32, #tpu.memory_space<vmem>>, vector<16xf32>,
          tpu.vector_store %arg11[%parallel_loop3A_191], %parallel_loop3A_176 {strides = array<i32>} : memref<4064xf32, #tpu.memory_space<vmem>>, vector<16xf32>,
          %parallel_loop3A_193 = arith.constant 16 : i32
          %parallel_loop3A_194 = arith.muli %parallel_loop3A_161, %parallel_loop3A_193 : i32
          %parallel_loop3A_195 = arith.index_cast %parallel_loop3A_194 : i32 to index
          %parallel_loop3A_196 = tpu.vector_load %arg12[%parallel_loop3A_195] {strides = array<i32>} : memref<2064xi32, #tpu.memory_space<vmem>>, vector<16xi32>,
          tpu.vector_store %arg12[%parallel_loop3A_195], %broadcast_in_dim3A_5 {strides = array<i32>} : memref<2064xi32, #tpu.memory_space<vmem>>, vector<16xi32>,
          %parallel_loop3A_197 = arith.addf %parallel_loop3A_162, %parallel_loop3A_174 : vector<16xf32>
          scf.yield %parallel_loop3A_197, %parallel_loop3A_171 : vector<16xf32>, vector<16xf32>
        } {sc.loop_unroll_factor = 9 : i64, sc.parallel_access}
        %div3A = arith.constant 1.280000e+02 : f32
        %div3A_141 = vector.broadcast %div3A : f32 to vector<16xf32>
        %div3A_142 = arith.divf %div3A_141, %parallel_loop3A_140#0 : vector<16xf32>
        %swap3A = arith.constant 4032 : index
        %swap3A_143 = tpu.vector_load %arg11[%swap3A] {strides = array<i32>} : memref<4064xf32, #tpu.memory_space<vmem>>, vector<16xf32>,
        tpu.vector_store %arg11[%swap3A], %parallel_loop3A_140#1 {strides = array<i32>} : memref<4064xf32, #tpu.memory_space<vmem>>, vector<16xf32>,
        %swap3A_144 = arith.constant 4048 : index
        %swap3A_145 = tpu.vector_load %arg11[%swap3A_144] {strides = array<i32>} : memref<4064xf32, #tpu.memory_space<vmem>>, vector<16xf32>,
        tpu.vector_store %arg11[%swap3A_144], %broadcast_in_dim3A_3 {strides = array<i32>} : memref<4064xf32, #tpu.memory_space<vmem>>, vector<16xf32>,
        %swap3A_146 = arith.constant 2016 : index
        %swap3A_147 = tpu.vector_load %arg12[%swap3A_146] {strides = array<i32>} : memref<2064xi32, #tpu.memory_space<vmem>>, vector<16xi32>,
        tpu.vector_store %arg12[%swap3A_146], %broadcast_in_dim3A_5 {strides = array<i32>} : memref<2064xi32, #tpu.memory_space<vmem>>, vector<16xi32>,
        %swap3A_148 = arith.constant 2032 : index
        %swap3A_149 = tpu.vector_load %arg12[%swap3A_148] {strides = array<i32>} : memref<2064xi32, #tpu.memory_space<vmem>>, vector<16xi32>,
        tpu.vector_store %arg12[%swap3A_148], %broadcast_in_dim3A_5 {strides = array<i32>} : memref<2064xi32, #tpu.memory_space<vmem>>, vector<16xi32>,
        %swap3A_150 = arith.constant 2048 : index
        %swap3A_151 = tpu.vector_load %arg12[%swap3A_150] {strides = array<i32>} : memref<2064xi32, #tpu.memory_space<vmem>>, vector<16xi32>,
        tpu.vector_store %arg12[%swap3A_150], %broadcast_in_dim3A_5 {strides = array<i32>} : memref<2064xi32, #tpu.memory_space<vmem>>, vector<16xi32>,
        %parallel_loop3A_152 = arith.constant 0 : i32
        %parallel_loop3A_153 = arith.constant 126 : i32
        %parallel_loop3A_154 = arith.constant 1 : i32
        %parallel_loop3A_155 = scf.for %parallel_loop3A_161 = %parallel_loop3A_152 to %parallel_loop3A_153 step %parallel_loop3A_154 iter_args(%parallel_loop3A_162 = %broadcast_in_dim3A_3) -> (vector<16xf32>)  : i32 {
          %parallel_loop3A_163 = vector.broadcast %parallel_loop3A_161 : i32 to vector<16xi32>
          %parallel_loop3A_164 = arith.addi %mul3A_123, %parallel_loop3A_163 : vector<16xi32>
          %parallel_loop3A_165 = tpu.vector_load_idx %arg5[%parallel_loop3A_164] : memref<16128xf32, #tpu.memory_space<vmem>>[vector<16xi32>], vector<16xf32>,
          %parallel_loop3A_166 = arith.constant 9.99999974E-6 : f32
          %parallel_loop3A_167 = vector.broadcast %parallel_loop3A_166 : f32 to vector<16xf32>
          %parallel_loop3A_168 = arith.addf %parallel_loop3A_165, %parallel_loop3A_167 : vector<16xf32>
          %parallel_loop3A_169 = arith.addf %parallel_loop3A_162, %parallel_loop3A_168 : vector<16xf32>
          %parallel_loop3A_170 = arith.mulf %parallel_loop3A_169, %div3A_142 : vector<16xf32>
          %parallel_loop3A_171 = arith.constant 1.285000e+02 : f32
          %parallel_loop3A_172 = vector.broadcast %parallel_loop3A_171 : f32 to vector<16xf32>
          %parallel_loop3A_173 = arith.subf %parallel_loop3A_172, %parallel_loop3A_170 : vector<16xf32>
          %parallel_loop3A_174 = arith.fptosi %parallel_loop3A_173 : vector<16xf32> to vector<16xi32>
          %parallel_loop3A_175 = arith.constant 128 : i32
          %parallel_loop3A_176 = vector.broadcast %parallel_loop3A_175 : i32 to vector<16xi32>
          %parallel_loop3A_177 = arith.subi %parallel_loop3A_176, %parallel_loop3A_174 : vector<16xi32>
          %parallel_loop3A_178 = arith.constant 16 : i32
          %parallel_loop3A_179 = vector.broadcast %parallel_loop3A_178 : i32 to vector<16xi32>
          %parallel_loop3A_180 = arith.muli %parallel_loop3A_177, %parallel_loop3A_179 : vector<16xi32>
          %parallel_loop3A_181 = arith.addi %parallel_loop3A_180, %iota3A : vector<16xi32>
          tpu.vector_store_idx %arg12[%parallel_loop3A_181], %broadcast_in_dim3A_1 {add = true} : memref<2064xi32, #tpu.memory_space<vmem>>[vector<16xi32>], vector<16xi32>,
          scf.yield %parallel_loop3A_169 : vector<16xf32>
        } {sc.loop_unroll_factor = 9 : i64, sc.parallel_access}
        %parallel_loop3A_156 = arith.constant 0 : i32
        %parallel_loop3A_157 = arith.constant 128 : i32
        %parallel_loop3A_158 = arith.constant 1 : i32
        %parallel_loop3A_159:2 = scf.for %parallel_loop3A_161 = %parallel_loop3A_156 to %parallel_loop3A_157 step %parallel_loop3A_158 iter_args(%parallel_loop3A_162 = %broadcast_in_dim3A_5, %parallel_loop3A_163 = %broadcast_in_dim3A_7) -> (vector<16xi32>, vector<16xf32>)  : i32 {
          %parallel_loop3A_164 = arith.constant 16 : i32
          %parallel_loop3A_165 = arith.muli %parallel_loop3A_161, %parallel_loop3A_164 : i32
          %parallel_loop3A_166 = arith.index_cast %parallel_loop3A_165 : i32 to index
          %parallel_loop3A_167 = tpu.vector_load %arg12[%parallel_loop3A_166] {strides = array<i32>} : memref<2064xi32, #tpu.memory_space<vmem>>, vector<16xi32>,
          %parallel_loop3A_168 = arith.addi %parallel_loop3A_162, %parallel_loop3A_167 : vector<16xi32>
          %parallel_loop3A_169 = arith.constant 32 : i32
          %parallel_loop3A_170 = vector.broadcast %parallel_loop3A_169 : i32 to vector<16xi32>
          %parallel_loop3A_171 = arith.muli %parallel_loop3A_168, %parallel_loop3A_170 : vector<16xi32>
          %parallel_loop3A_172 = arith.addi %parallel_loop3A_171, %iota3A : vector<16xi32>
          %parallel_loop3A_173 = tpu.vector_load_idx %arg11[%parallel_loop3A_172] : memref<4064xf32, #tpu.memory_space<vmem>>[vector<16xi32>], vector<16xf32>,
          %parallel_loop3A_174 = arith.constant 16 : i32
          %parallel_loop3A_175 = vector.broadcast %parallel_loop3A_174 : i32 to vector<16xi32>
          %parallel_loop3A_176 = arith.addi %parallel_loop3A_172, %parallel_loop3A_175 : vector<16xi32>
          %parallel_loop3A_177 = tpu.vector_load_idx %arg11[%parallel_loop3A_176] : memref<4064xf32, #tpu.memory_space<vmem>>[vector<16xi32>], vector<16xf32>,
          %parallel_loop3A_178 = arith.mulf %parallel_loop3A_163, %parallel_loop3A_140#0 : vector<16xf32>
          %parallel_loop3A_179 = arith.mulf %parallel_loop3A_178, %parallel_loop3A_177 : vector<16xf32>
          %parallel_loop3A_180 = arith.addf %parallel_loop3A_173, %parallel_loop3A_179 : vector<16xf32>
          %parallel_loop3A_181 = vector.broadcast %parallel_loop3A_161 : i32 to vector<16xi32>
          %parallel_loop3A_182 = arith.addi %mul3A_137, %parallel_loop3A_181 : vector<16xi32>
          tpu.vector_store_idx %arg9[%parallel_loop3A_182], %parallel_loop3A_180 : memref<16384xf32, #tpu.memory_space<vmem>>[vector<16xi32>], vector<16xf32>,
          %parallel_loop3A_183 = arith.constant 7.812500e-03 : f32
          %parallel_loop3A_184 = vector.broadcast %parallel_loop3A_183 : f32 to vector<16xf32>
          %parallel_loop3A_185 = arith.addf %parallel_loop3A_163, %parallel_loop3A_184 : vector<16xf32>
          scf.yield %parallel_loop3A_168, %parallel_loop3A_185 : vector<16xi32>, vector<16xf32>
        } {sc.loop_unroll_factor = 16 : i64, sc.parallel_access}
        %scan3A_160 = arith.constant 0 : i32
        scf.yield %scan3A_160 : i32
      }
      %scan3A_69 = arith.constant 8 : i32
      %mul3A_70 = arith.constant 16 : i32
      %mul3A_71 = arith.muli %add3A, %mul3A_70 : i32
      %add3A_72 = arith.addi %mul3A_71, %mul3A_37 : i32
      %mul3A_73 = arith.constant 128 : i32
      %mul3A_74 = arith.muli %add3A_72, %mul3A_73 : i32
      %mul3A_75 = arith.constant 128 : i32
      %mul3A_76 = arith.muli %mul3A_74, %mul3A_75 : i32
      %dma_start3A_77 = tpu.memref_slice %arg4[%mul3A_76] : memref<8388608xf32, #tpu.memory_space<hbm>> -> memref<16384xf32, #tpu.memory_space<hbm>>
      %dma_start3A_78 = tpu.memref_slice %arg4[%mul3A_76] : memref<8388608xf32, #tpu.memory_space<hbm>> -> memref<16384xf32, #tpu.memory_space<hbm>>
      tpu.enqueue_dma source(%arg9 : memref<16384xf32, #tpu.memory_space<vmem>>) target(%dma_start3A_78 : memref<16384xf32, #tpu.memory_space<hbm>>) target_semaphore(%arg15 : memref<!tpu.dma_semaphore, #tpu.memory_space<semaphore_mem>>)
      %dma_wait3A_79 = arith.constant 0 : i32
      %dma_wait3A_80 = tpu.memref_slice %arg3[%dma_wait3A_79] : memref<8257536xf32, #tpu.memory_space<hbm>> -> memref<16128xf32, #tpu.memory_space<hbm>>
      %dma_wait3A_81 = arith.constant 0 : i32
      %dma_wait3A_82 = tpu.memref_slice %arg3[%dma_wait3A_81] : memref<8257536xf32, #tpu.memory_space<hbm>> -> memref<16128xf32, #tpu.memory_space<hbm>>
      tpu.wait_dma2 semaphore(%arg14 : memref<!tpu.dma_semaphore, #tpu.memory_space<semaphore_mem>>) src(%dma_wait3A_82 : memref<16128xf32, #tpu.memory_space<hbm>>) dst(%arg7 : memref<16128xf32, #tpu.memory_space<vmem>>)
      %dma_wait3A_83 = arith.constant 0 : i32
      %dma_wait3A_84 = tpu.memref_slice %arg2[%dma_wait3A_83] : memref<8323072xf32, #tpu.memory_space<hbm>> -> memref<16256xf32, #tpu.memory_space<hbm>>
      %dma_wait3A_85 = arith.constant 0 : i32
      %dma_wait3A_86 = tpu.memref_slice %arg2[%dma_wait3A_85] : memref<8323072xf32, #tpu.memory_space<hbm>> -> memref<16256xf32, #tpu.memory_space<hbm>>
      tpu.wait_dma2 semaphore(%arg14 : memref<!tpu.dma_semaphore, #tpu.memory_space<semaphore_mem>>) src(%dma_wait3A_86 : memref<16256xf32, #tpu.memory_space<hbm>>) dst(%arg8 : memref<16256xf32, #tpu.memory_space<vmem>>)
      %lt3A = arith.constant 7 : i32
      %lt3A_87 = arith.cmpi slt, %scan3A_34, %lt3A : i32
      %convert_element_type3A_88 = arith.extui %lt3A_87 : i1 to i32
      %cond3A_89 = arith.constant 0 : i32
      %cond3A_90 = arith.cmpi ne, %convert_element_type3A_88, %cond3A_89 : i32
      scf.if %cond3A_90 {
        %add3A_115 = arith.constant 2 : i32
        %add3A_116 = arith.addi %mul3A_37, %add3A_115 : i32
        %mul3A_117 = arith.constant 16 : i32
        %mul3A_118 = arith.muli %add3A, %mul3A_117 : i32
        %add3A_119 = arith.addi %mul3A_118, %add3A_116 : i32
        %mul3A_120 = arith.constant 128 : i32
        %mul3A_121 = arith.muli %add3A_119, %mul3A_120 : i32
        %mul3A_122 = arith.constant 126 : i32
        %mul3A_123 = arith.muli %mul3A_121, %mul3A_122 : i32
        %dma_start3A_124 = tpu.memref_slice %arg3[%mul3A_123] : memref<8257536xf32, #tpu.memory_space<hbm>> -> memref<16128xf32, #tpu.memory_space<hbm>>
        %dma_start3A_125 = tpu.memref_slice %arg3[%mul3A_123] : memref<8257536xf32, #tpu.memory_space<hbm>> -> memref<16128xf32, #tpu.memory_space<hbm>>
        tpu.enqueue_dma source(%dma_start3A_125 : memref<16128xf32, #tpu.memory_space<hbm>>) target(%arg5 : memref<16128xf32, #tpu.memory_space<vmem>>) target_semaphore(%arg13 : memref<!tpu.dma_semaphore, #tpu.memory_space<semaphore_mem>>)
        %mul3A_126 = arith.constant 127 : i32
        %mul3A_127 = arith.muli %mul3A_121, %mul3A_126 : i32
        %dma_start3A_128 = tpu.memref_slice %arg2[%mul3A_127] : memref<8323072xf32, #tpu.memory_space<hbm>> -> memref<16256xf32, #tpu.memory_space<hbm>>
        %dma_start3A_129 = tpu.memref_slice %arg2[%mul3A_127] : memref<8323072xf32, #tpu.memory_space<hbm>> -> memref<16256xf32, #tpu.memory_space<hbm>>
        tpu.enqueue_dma source(%dma_start3A_129 : memref<16256xf32, #tpu.memory_space<hbm>>) target(%arg6 : memref<16256xf32, #tpu.memory_space<vmem>>) target_semaphore(%arg13 : memref<!tpu.dma_semaphore, #tpu.memory_space<semaphore_mem>>)
      } else {
      }
      %add3A_91 = arith.constant 1 : i32
      %add3A_92 = arith.addi %mul3A_37, %add3A_91 : i32
      %gt3A_93 = arith.constant 0 : i32
      %gt3A_94 = arith.cmpi sgt, %scan3A_34, %gt3A_93 : i32
      %convert_element_type3A_95 = arith.extui %gt3A_94 : i1 to i32
      %cond3A_96 = arith.constant 0 : i32
      %cond3A_97 = arith.cmpi ne, %convert_element_type3A_95, %cond3A_96 : i32
      scf.if %cond3A_97 {
        %dma_wait3A_115 = arith.constant 0 : i32
        %dma_wait3A_116 = tpu.memref_slice %arg4[%dma_wait3A_115] : memref<8388608xf32, #tpu.memory_space<hbm>> -> memref<16384xf32, #tpu.memory_space<hbm>>
        %dma_wait3A_117 = arith.constant 0 : i32
        %dma_wait3A_118 = tpu.memref_slice %arg4[%dma_wait3A_117] : memref<8388608xf32, #tpu.memory_space<hbm>> -> memref<16384xf32, #tpu.memory_space<hbm>>
        tpu.wait_dma2 semaphore(%arg16 : memref<!tpu.dma_semaphore, #tpu.memory_space<semaphore_mem>>) src(%arg10 : memref<16384xf32, #tpu.memory_space<vmem>>) dst(%dma_wait3A_118 : memref<16384xf32, #tpu.memory_space<hbm>>)
      } else {
      }
      %scan3A_98 = arith.constant 0 : i32
      %scan3A_99 = arith.constant 0 : i32
      %scan3A_100 = arith.constant 8 : i32
      %scan3A_101 = arith.addi %scan3A_99, %scan3A_100 : i32
      %scan3A_102 = arith.constant 1 : i32
      %scan3A_103 = scf.for %scan3A_115 = %scan3A_99 to %scan3A_101 step %scan3A_102 iter_args(%scan3A_116 = %scan3A_98) -> (i32)  : i32 {
        %mul3A_117 = arith.constant 16 : i32
        %mul3A_118 = arith.muli %scan3A_115, %mul3A_117 : i32
        %add3A_119 = vector.broadcast %mul3A_118 : i32 to vector<16xi32>
        %add3A_120 = arith.addi %add3A_119, %iota3A : vector<16xi32>
        %mul3A_121 = arith.constant 126 : i32
        %mul3A_122 = vector.broadcast %mul3A_121 : i32 to vector<16xi32>
        %mul3A_123 = arith.muli %add3A_120, %mul3A_122 : vector<16xi32>
        %mul3A_124 = arith.constant 16 : i32
        %mul3A_125 = arith.muli %scan3A_115, %mul3A_124 : i32
        %add3A_126 = vector.broadcast %mul3A_125 : i32 to vector<16xi32>
        %add3A_127 = arith.addi %add3A_126, %iota3A : vector<16xi32>
        %mul3A_128 = arith.constant 127 : i32
        %mul3A_129 = vector.broadcast %mul3A_128 : i32 to vector<16xi32>
        %mul3A_130 = arith.muli %add3A_127, %mul3A_129 : vector<16xi32>
        %mul3A_131 = arith.constant 16 : i32
        %mul3A_132 = arith.muli %scan3A_115, %mul3A_131 : i32
        %add3A_133 = vector.broadcast %mul3A_132 : i32 to vector<16xi32>
        %add3A_134 = arith.addi %add3A_133, %iota3A : vector<16xi32>
        %mul3A_135 = arith.constant 128 : i32
        %mul3A_136 = vector.broadcast %mul3A_135 : i32 to vector<16xi32>
        %mul3A_137 = arith.muli %add3A_134, %mul3A_136 : vector<16xi32>
        %gather3A = tpu.vector_load_idx %arg8[%mul3A_130] : memref<16256xf32, #tpu.memory_space<vmem>>[vector<16xi32>], vector<16xf32>,
        %parallel_loop3A = arith.constant 0 : i32
        %parallel_loop3A_138 = arith.constant 126 : i32
        %parallel_loop3A_139 = arith.constant 1 : i32
        %parallel_loop3A_140:2 = scf.for %parallel_loop3A_161 = %parallel_loop3A to %parallel_loop3A_138 step %parallel_loop3A_139 iter_args(%parallel_loop3A_162 = %broadcast_in_dim3A_3, %parallel_loop3A_163 = %gather3A) -> (vector<16xf32>, vector<16xf32>)  : i32 {
          %parallel_loop3A_164 = vector.broadcast %parallel_loop3A_161 : i32 to vector<16xi32>
          %parallel_loop3A_165 = arith.addi %mul3A_123, %parallel_loop3A_164 : vector<16xi32>
          %parallel_loop3A_166 = tpu.vector_load_idx %arg7[%parallel_loop3A_165] : memref<16128xf32, #tpu.memory_space<vmem>>[vector<16xi32>], vector<16xf32>,
          %parallel_loop3A_167 = arith.constant 1 : i32
          %parallel_loop3A_168 = arith.addi %parallel_loop3A_161, %parallel_loop3A_167 : i32
          %parallel_loop3A_169 = vector.broadcast %parallel_loop3A_168 : i32 to vector<16xi32>
          %parallel_loop3A_170 = arith.addi %mul3A_130, %parallel_loop3A_169 : vector<16xi32>
          %parallel_loop3A_171 = tpu.vector_load_idx %arg8[%parallel_loop3A_170] : memref<16256xf32, #tpu.memory_space<vmem>>[vector<16xi32>], vector<16xf32>,
          %parallel_loop3A_172 = arith.constant 9.99999974E-6 : f32
          %parallel_loop3A_173 = vector.broadcast %parallel_loop3A_172 : f32 to vector<16xf32>
          %parallel_loop3A_174 = arith.addf %parallel_loop3A_166, %parallel_loop3A_173 : vector<16xf32>
          %parallel_loop3A_175 = arith.subf %parallel_loop3A_171, %parallel_loop3A_163 : vector<16xf32>
          %parallel_loop3A_176 = arith.divf %parallel_loop3A_175, %parallel_loop3A_174 : vector<16xf32>
          %parallel_loop3A_177 = arith.mulf %parallel_loop3A_162, %parallel_loop3A_176 : vector<16xf32>
          %parallel_loop3A_178 = arith.subf %parallel_loop3A_163, %parallel_loop3A_177 : vector<16xf32>
          %parallel_loop3A_179 = arith.constant 2 : i32
          %parallel_loop3A_180 = arith.muli %parallel_loop3A_161, %parallel_loop3A_179 : i32
          %parallel_loop3A_181 = arith.constant 16 : i32
          %parallel_loop3A_182 = arith.muli %parallel_loop3A_180, %parallel_loop3A_181 : i32
          %parallel_loop3A_183 = arith.index_cast %parallel_loop3A_182 : i32 to index
          %parallel_loop3A_184 = tpu.vector_load %arg11[%parallel_loop3A_183] {strides = array<i32>} : memref<4064xf32, #tpu.memory_space<vmem>>, vector<16xf32>,
          tpu.vector_store %arg11[%parallel_loop3A_183], %parallel_loop3A_178 {strides = array<i32>} : memref<4064xf32, #tpu.memory_space<vmem>>, vector<16xf32>,
          %parallel_loop3A_185 = arith.constant 2 : i32
          %parallel_loop3A_186 = arith.muli %parallel_loop3A_161, %parallel_loop3A_185 : i32
          %parallel_loop3A_187 = arith.constant 16 : i32
          %parallel_loop3A_188 = arith.muli %parallel_loop3A_186, %parallel_loop3A_187 : i32
          %parallel_loop3A_189 = arith.constant 16 : i32
          %parallel_loop3A_190 = arith.addi %parallel_loop3A_188, %parallel_loop3A_189 : i32
          %parallel_loop3A_191 = arith.index_cast %parallel_loop3A_190 : i32 to index
          %parallel_loop3A_192 = tpu.vector_load %arg11[%parallel_loop3A_191] {strides = array<i32>} : memref<4064xf32, #tpu.memory_space<vmem>>, vector<16xf32>,
          tpu.vector_store %arg11[%parallel_loop3A_191], %parallel_loop3A_176 {strides = array<i32>} : memref<4064xf32, #tpu.memory_space<vmem>>, vector<16xf32>,
          %parallel_loop3A_193 = arith.constant 16 : i32
          %parallel_loop3A_194 = arith.muli %parallel_loop3A_161, %parallel_loop3A_193 : i32
          %parallel_loop3A_195 = arith.index_cast %parallel_loop3A_194 : i32 to index
          %parallel_loop3A_196 = tpu.vector_load %arg12[%parallel_loop3A_195] {strides = array<i32>} : memref<2064xi32, #tpu.memory_space<vmem>>, vector<16xi32>,
          tpu.vector_store %arg12[%parallel_loop3A_195], %broadcast_in_dim3A_5 {strides = array<i32>} : memref<2064xi32, #tpu.memory_space<vmem>>, vector<16xi32>,
          %parallel_loop3A_197 = arith.addf %parallel_loop3A_162, %parallel_loop3A_174 : vector<16xf32>
          scf.yield %parallel_loop3A_197, %parallel_loop3A_171 : vector<16xf32>, vector<16xf32>
        } {sc.loop_unroll_factor = 9 : i64, sc.parallel_access}
        %div3A = arith.constant 1.280000e+02 : f32
        %div3A_141 = vector.broadcast %div3A : f32 to vector<16xf32>
        %div3A_142 = arith.divf %div3A_141, %parallel_loop3A_140#0 : vector<16xf32>
        %swap3A = arith.constant 4032 : index
        %swap3A_143 = tpu.vector_load %arg11[%swap3A] {strides = array<i32>} : memref<4064xf32, #tpu.memory_space<vmem>>, vector<16xf32>,
        tpu.vector_store %arg11[%swap3A], %parallel_loop3A_140#1 {strides = array<i32>} : memref<4064xf32, #tpu.memory_space<vmem>>, vector<16xf32>,
        %swap3A_144 = arith.constant 4048 : index
        %swap3A_145 = tpu.vector_load %arg11[%swap3A_144] {strides = array<i32>} : memref<4064xf32, #tpu.memory_space<vmem>>, vector<16xf32>,
        tpu.vector_store %arg11[%swap3A_144], %broadcast_in_dim3A_3 {strides = array<i32>} : memref<4064xf32, #tpu.memory_space<vmem>>, vector<16xf32>,
        %swap3A_146 = arith.constant 2016 : index
        %swap3A_147 = tpu.vector_load %arg12[%swap3A_146] {strides = array<i32>} : memref<2064xi32, #tpu.memory_space<vmem>>, vector<16xi32>,
        tpu.vector_store %arg12[%swap3A_146], %broadcast_in_dim3A_5 {strides = array<i32>} : memref<2064xi32, #tpu.memory_space<vmem>>, vector<16xi32>,
        %swap3A_148 = arith.constant 2032 : index
        %swap3A_149 = tpu.vector_load %arg12[%swap3A_148] {strides = array<i32>} : memref<2064xi32, #tpu.memory_space<vmem>>, vector<16xi32>,
        tpu.vector_store %arg12[%swap3A_148], %broadcast_in_dim3A_5 {strides = array<i32>} : memref<2064xi32, #tpu.memory_space<vmem>>, vector<16xi32>,
        %swap3A_150 = arith.constant 2048 : index
        %swap3A_151 = tpu.vector_load %arg12[%swap3A_150] {strides = array<i32>} : memref<2064xi32, #tpu.memory_space<vmem>>, vector<16xi32>,
        tpu.vector_store %arg12[%swap3A_150], %broadcast_in_dim3A_5 {strides = array<i32>} : memref<2064xi32, #tpu.memory_space<vmem>>, vector<16xi32>,
        %parallel_loop3A_152 = arith.constant 0 : i32
        %parallel_loop3A_153 = arith.constant 126 : i32
        %parallel_loop3A_154 = arith.constant 1 : i32
        %parallel_loop3A_155 = scf.for %parallel_loop3A_161 = %parallel_loop3A_152 to %parallel_loop3A_153 step %parallel_loop3A_154 iter_args(%parallel_loop3A_162 = %broadcast_in_dim3A_3) -> (vector<16xf32>)  : i32 {
          %parallel_loop3A_163 = vector.broadcast %parallel_loop3A_161 : i32 to vector<16xi32>
          %parallel_loop3A_164 = arith.addi %mul3A_123, %parallel_loop3A_163 : vector<16xi32>
          %parallel_loop3A_165 = tpu.vector_load_idx %arg7[%parallel_loop3A_164] : memref<16128xf32, #tpu.memory_space<vmem>>[vector<16xi32>], vector<16xf32>,
          %parallel_loop3A_166 = arith.constant 9.99999974E-6 : f32
          %parallel_loop3A_167 = vector.broadcast %parallel_loop3A_166 : f32 to vector<16xf32>
          %parallel_loop3A_168 = arith.addf %parallel_loop3A_165, %parallel_loop3A_167 : vector<16xf32>
          %parallel_loop3A_169 = arith.addf %parallel_loop3A_162, %parallel_loop3A_168 : vector<16xf32>
          %parallel_loop3A_170 = arith.mulf %parallel_loop3A_169, %div3A_142 : vector<16xf32>
          %parallel_loop3A_171 = arith.constant 1.285000e+02 : f32
          %parallel_loop3A_172 = vector.broadcast %parallel_loop3A_171 : f32 to vector<16xf32>
          %parallel_loop3A_173 = arith.subf %parallel_loop3A_172, %parallel_loop3A_170 : vector<16xf32>
          %parallel_loop3A_174 = arith.fptosi %parallel_loop3A_173 : vector<16xf32> to vector<16xi32>
          %parallel_loop3A_175 = arith.constant 128 : i32
          %parallel_loop3A_176 = vector.broadcast %parallel_loop3A_175 : i32 to vector<16xi32>
          %parallel_loop3A_177 = arith.subi %parallel_loop3A_176, %parallel_loop3A_174 : vector<16xi32>
          %parallel_loop3A_178 = arith.constant 16 : i32
          %parallel_loop3A_179 = vector.broadcast %parallel_loop3A_178 : i32 to vector<16xi32>
          %parallel_loop3A_180 = arith.muli %parallel_loop3A_177, %parallel_loop3A_179 : vector<16xi32>
          %parallel_loop3A_181 = arith.addi %parallel_loop3A_180, %iota3A : vector<16xi32>
          tpu.vector_store_idx %arg12[%parallel_loop3A_181], %broadcast_in_dim3A_1 {add = true} : memref<2064xi32, #tpu.memory_space<vmem>>[vector<16xi32>], vector<16xi32>,
          scf.yield %parallel_loop3A_169 : vector<16xf32>
        } {sc.loop_unroll_factor = 9 : i64, sc.parallel_access}
        %parallel_loop3A_156 = arith.constant 0 : i32
        %parallel_loop3A_157 = arith.constant 128 : i32
        %parallel_loop3A_158 = arith.constant 1 : i32
        %parallel_loop3A_159:2 = scf.for %parallel_loop3A_161 = %parallel_loop3A_156 to %parallel_loop3A_157 step %parallel_loop3A_158 iter_args(%parallel_loop3A_162 = %broadcast_in_dim3A_5, %parallel_loop3A_163 = %broadcast_in_dim3A_7) -> (vector<16xi32>, vector<16xf32>)  : i32 {
          %parallel_loop3A_164 = arith.constant 16 : i32
          %parallel_loop3A_165 = arith.muli %parallel_loop3A_161, %parallel_loop3A_164 : i32
          %parallel_loop3A_166 = arith.index_cast %parallel_loop3A_165 : i32 to index
          %parallel_loop3A_167 = tpu.vector_load %arg12[%parallel_loop3A_166] {strides = array<i32>} : memref<2064xi32, #tpu.memory_space<vmem>>, vector<16xi32>,
          %parallel_loop3A_168 = arith.addi %parallel_loop3A_162, %parallel_loop3A_167 : vector<16xi32>
          %parallel_loop3A_169 = arith.constant 32 : i32
          %parallel_loop3A_170 = vector.broadcast %parallel_loop3A_169 : i32 to vector<16xi32>
          %parallel_loop3A_171 = arith.muli %parallel_loop3A_168, %parallel_loop3A_170 : vector<16xi32>
          %parallel_loop3A_172 = arith.addi %parallel_loop3A_171, %iota3A : vector<16xi32>
          %parallel_loop3A_173 = tpu.vector_load_idx %arg11[%parallel_loop3A_172] : memref<4064xf32, #tpu.memory_space<vmem>>[vector<16xi32>], vector<16xf32>,
          %parallel_loop3A_174 = arith.constant 16 : i32
          %parallel_loop3A_175 = vector.broadcast %parallel_loop3A_174 : i32 to vector<16xi32>
          %parallel_loop3A_176 = arith.addi %parallel_loop3A_172, %parallel_loop3A_175 : vector<16xi32>
          %parallel_loop3A_177 = tpu.vector_load_idx %arg11[%parallel_loop3A_176] : memref<4064xf32, #tpu.memory_space<vmem>>[vector<16xi32>], vector<16xf32>,
          %parallel_loop3A_178 = arith.mulf %parallel_loop3A_163, %parallel_loop3A_140#0 : vector<16xf32>
          %parallel_loop3A_179 = arith.mulf %parallel_loop3A_178, %parallel_loop3A_177 : vector<16xf32>
          %parallel_loop3A_180 = arith.addf %parallel_loop3A_173, %parallel_loop3A_179 : vector<16xf32>
          %parallel_loop3A_181 = vector.broadcast %parallel_loop3A_161 : i32 to vector<16xi32>
          %parallel_loop3A_182 = arith.addi %mul3A_137, %parallel_loop3A_181 : vector<16xi32>
          tpu.vector_store_idx %arg10[%parallel_loop3A_182], %parallel_loop3A_180 : memref<16384xf32, #tpu.memory_space<vmem>>[vector<16xi32>], vector<16xf32>,
          %parallel_loop3A_183 = arith.constant 7.812500e-03 : f32
          %parallel_loop3A_184 = vector.broadcast %parallel_loop3A_183 : f32 to vector<16xf32>
          %parallel_loop3A_185 = arith.addf %parallel_loop3A_163, %parallel_loop3A_184 : vector<16xf32>
          scf.yield %parallel_loop3A_168, %parallel_loop3A_185 : vector<16xi32>, vector<16xf32>
        } {sc.loop_unroll_factor = 16 : i64, sc.parallel_access}
        %scan3A_160 = arith.constant 0 : i32
        scf.yield %scan3A_160 : i32
      }
      %scan3A_104 = arith.constant 8 : i32
      %mul3A_105 = arith.constant 16 : i32
      %mul3A_106 = arith.muli %add3A, %mul3A_105 : i32
      %add3A_107 = arith.addi %mul3A_106, %add3A_92 : i32
      %mul3A_108 = arith.constant 128 : i32
      %mul3A_109 = arith.muli %add3A_107, %mul3A_108 : i32
      %mul3A_110 = arith.constant 128 : i32
      %mul3A_111 = arith.muli %mul3A_109, %mul3A_110 : i32
      %dma_start3A_112 = tpu.memref_slice %arg4[%mul3A_111] : memref<8388608xf32, #tpu.memory_space<hbm>> -> memref<16384xf32, #tpu.memory_space<hbm>>
      %dma_start3A_113 = tpu.memref_slice %arg4[%mul3A_111] : memref<8388608xf32, #tpu.memory_space<hbm>> -> memref<16384xf32, #tpu.memory_space<hbm>>
      tpu.enqueue_dma source(%arg10 : memref<16384xf32, #tpu.memory_space<vmem>>) target(%dma_start3A_113 : memref<16384xf32, #tpu.memory_space<hbm>>) target_semaphore(%arg16 : memref<!tpu.dma_semaphore, #tpu.memory_space<semaphore_mem>>)
      %scan3A_114 = arith.constant 0 : i32
      scf.yield %scan3A_114 : i32
    }
    %scan3A_26 = arith.constant 8 : i32
    %dma_wait3A = arith.constant 0 : i32
    %dma_wait3A_27 = tpu.memref_slice %arg4[%dma_wait3A] : memref<8388608xf32, #tpu.memory_space<hbm>> -> memref<16384xf32, #tpu.memory_space<hbm>>
    %dma_wait3A_28 = arith.constant 0 : i32
    %dma_wait3A_29 = tpu.memref_slice %arg4[%dma_wait3A_28] : memref<8388608xf32, #tpu.memory_space<hbm>> -> memref<16384xf32, #tpu.memory_space<hbm>>
    tpu.wait_dma2 semaphore(%arg15 : memref<!tpu.dma_semaphore, #tpu.memory_space<semaphore_mem>>) src(%arg9 : memref<16384xf32, #tpu.memory_space<vmem>>) dst(%dma_wait3A_29 : memref<16384xf32, #tpu.memory_space<hbm>>)
    %dma_wait3A_30 = arith.constant 0 : i32
    %dma_wait3A_31 = tpu.memref_slice %arg4[%dma_wait3A_30] : memref<8388608xf32, #tpu.memory_space<hbm>> -> memref<16384xf32, #tpu.memory_space<hbm>>
    %dma_wait3A_32 = arith.constant 0 : i32
    %dma_wait3A_33 = tpu.memref_slice %arg4[%dma_wait3A_32] : memref<8388608xf32, #tpu.memory_space<hbm>> -> memref<16384xf32, #tpu.memory_space<hbm>>
    tpu.wait_dma2 semaphore(%arg16 : memref<!tpu.dma_semaphore, #tpu.memory_space<semaphore_mem>>) src(%arg10 : memref<16384xf32, #tpu.memory_space<vmem>>) dst(%dma_wait3A_33 : memref<16384xf32, #tpu.memory_space<hbm>>)
    return
  }
}

</mosaic_0001>

<sc_bundles>
// kernel: kernel.3.cloned.1.call-start
scs
__scs_entry_jumppad:
0x0: {  	(pc) =	sbr.rel $0x88, $3  }
0x1: {  	(tag) =	ssettag $0x0;
	lr =	simm.s32 $0x1  }
0x2: {  	[smem:$0x3F9F] =	sst lr;
	_ =	strace $0xD0000000  }
0x3: {  	_ = 	snop  }
0x4: {  	_ = 	snop  }
0x5: {  	_ = 	snop  }
0x6: {  	_ = 	snop  }
0x7: {  	_ = 	snop  }
__scs_overlays_trampoline_lowered:
0x8: {  	[smem:$0x3FAE] =	sst s0  }
0x9: {  	[smem:$0x3FAF] =	sst s1  }
0xa: {  	[smem:$0x3FB0] =	sst s2  }
0xb: {  	[smem:$0x3FB1] =	sst s3  }
0xc: {  	[smem:$0x3FB2] =	sst s4  }
0xd: {  	[smem:$0x3FB3] =	sst s5  }
0xe: {  	[smem:$0x3FB4] =	sst s6  }
0xf: {  	[smem:$0x3FB5] =	sst s7  }
0x10: {  	[smem:$0x3FB6] =	sst s8  }
0x11: {  	[smem:$0x3FB7] =	sst s9;
	s0 =	simm.s32 @!p0 $0x0  }
0x12: {  	s1 =	sld [smem:$0x3F9D];
	s0 =	simm.s32 @p0 $0x1  }
0x13: {  	[smem:$0x3FB8] =	sst s0;
	s0 =	simm.s32 @!p1 $0x0  }
0x14: {  	s2 =	sld [smem:$0x3F9C];
	s0 =	simm.s32 @p1 $0x1  }
0x15: {  	[smem:$0x3FB9] =	sst s0;
	s0 =	simm.s32 @!p2 $0x0  }
0x16: {  	s3 =	sld [smem:$0x3FDB];
	s0 =	simm.s32 @p2 $0x1  }
0x17: {  	s4 =	simm.s32 $0x1BF5;
	[smem:$0x3FBB] =	sst s0  }
0x18: {  	s0 =	sld [smem:$0x3F9E];
	_ =	swait.ge [sflag:s4], $0x0  }
0x19: {  	s7 =	sld [smem:$0x3F9F]  }
0x1a: {  	s8 =	sadd.s32 $0xFFFFE003, lr  }
0x1b: {  	s9 =	sadd.s32 $0xFFFFFEF7, lr;
	s5 =	simm.s32 $0xFFFFFFFF;
	p2 =	slt.u32 s8, $0xFFFFF086  }
0x1c: {  	p1 =	slt.u32 s9, $0xF7A;
	s5 =	simm.s32 @!p2 $0x0  }
0x1d: {  	s5 =	simm.s32 @p1 $0x1;
	p0 =	seq.s32 s7, s2  }
0x1e: {  	s7 =	smul.u32 @!p0 $0xF7A, s2;
	p2 =	seq.s32 @!p0 s5, $0x0  }
0x1f: {  	s9 =	smul.u32 $0xF7A, s1;
	s8 =	simm.s32 @!p0 $0x1BF5;
	p2 =	por !p2, p0  }
0x20: {  	[sflag:s8] =	ssyncset.s32 @!p0 $0xFFFFF086;
	s6 =	sadd.s32 @!p0 s3, s7;
	s7 =	simm.s32 @!p0 $0x108  }
0x21: {  	s3 =	sadd.s32 s3, s9;
	s6 =	sadd.s32 @!p0 $0x88, s6;
	s7 =	simm.s32 @p2 $0x1082  }
0x22: {  	[simem:s7], [sflag:s8] =	dma.local @!p0 [hbm:s6], $0xF7A  }
0x23: {  	s9 =	sor.u32 $0xD0000000, s2;
	s6 =	simm.s32 $0x108;
	_ =	swait.ge @!p0 [sflag:s8], $0x0  }
0x24: {  	s3 =	sadd.s32 $0x88, s3;
	s6 =	simm.s32 @!p1 $0x1082;
	[sflag:s4] =	ssyncset.s32 $0xFFFFF086  }
0x25: {  	[simem:s6], [sflag:s4] =	dma.local [hbm:s3], $0xF7A  }
0x26: {  	[smem:$0x3F9F] =	sst s1;
	(tag) =	ssettag s2;
	_ =	strace s9  }
0x27: {  	s1 =	sld [smem:$0x3FAF]  }
0x28: {  	s2 =	sld [smem:$0x3FB0]  }
0x29: {  	s4 =	sld [smem:$0x3FB2]  }
0x2a: {  	p0 =	seq.s32 s5, $0x0;
	s5 =	sld [smem:$0x3FB3]  }
0x2b: {  	s6 =	sld [smem:$0x3FB4]  }
0x2c: {  	s7 =	sld [smem:$0x3FB5]  }
0x2d: {  	s3 =	simm.s32 $0x108;
	s8 =	sld [smem:$0x3FB6]  }
0x2e: {  	s3 =	simm.s32 @!p0 $0x1082;
	s9 =	sld [smem:$0x3FB7]  }
0x2f: {  	lr =	sadd.s32 s0, s3;
	s0 =	sld [smem:$0x3FAE]  }
0x30: {  	s3 =	sld [smem:$0x3FB1]  }
0x31: {  	[smem:$0x3FBA] =	sst s10  }
0x32: {  	s10 =	sld [smem:$0x3FB8];
	_ =	sdelay $0x3  }
0x33: {  	p0 =	seq.s32 s10, $0x1;
	s10 =	sld [smem:$0x3FBA];
	_ =	sdelay $0x3  }
0x34: {  	[smem:$0x3FBA] =	sst s10  }
0x35: {  	s10 =	sld [smem:$0x3FB9];
	_ =	sdelay $0x3  }
0x36: {  	p1 =	seq.s32 s10, $0x1;
	s10 =	sld [smem:$0x3FBA];
	_ =	sdelay $0x3  }
0x37: {  	[smem:$0x3FBA] =	sst s10  }
0x38: {  	s10 =	sld [smem:$0x3FBB]  }
0x39: {  	_ = 	snop;
	(pc) =	sbr.ind lr, $3  }
0x3a: {  	_ = 	snop  }
0x3b: {  	_ = 	snop  }
0x3c: {  	p2 =	seq.s32 s10, $0x1;
	s10 =	sld [smem:$0x3FBA]  }
0x3d: {  	_ =	shalt  }
0x3e: {  	_ =	shalt  }
0x3f: {  	_ =	shalt  }
0x40: {  	_ =	shalt  }
0x41: {  	_ =	shalt  }
0x42: {  	_ =	shalt  }
0x43: {  	_ =	shalt  }
0x44: {  	_ =	shalt  }
0x45: {  	_ =	shalt  }
0x46: {  	_ =	shalt  }
0x47: {  	_ =	shalt  }
0x48: {  	_ =	shalt  }
0x49: {  	_ =	shalt  }
0x4a: {  	_ =	shalt  }
0x4b: {  	_ =	shalt  }
0x4c: {  	_ =	shalt  }
0x4d: {  	_ =	shalt  }
0x4e: {  	_ =	shalt  }
0x4f: {  	_ =	shalt  }
0x50: {  	_ =	shalt  }
0x51: {  	_ =	shalt  }
0x52: {  	_ =	shalt  }
0x53: {  	_ =	shalt  }
0x54: {  	_ =	shalt  }
0x55: {  	_ =	shalt  }
0x56: {  	_ =	shalt  }
0x57: {  	_ =	shalt  }
0x58: {  	_ =	shalt  }
0x59: {  	_ =	shalt  }
0x5a: {  	_ =	shalt  }
0x5b: {  	_ =	shalt  }
0x5c: {  	_ =	shalt  }
0x5d: {  	_ =	shalt  }
0x5e: {  	_ =	shalt  }
0x5f: {  	_ =	shalt  }
0x60: {  	_ =	shalt  }
0x61: {  	_ =	shalt  }
0x62: {  	_ =	shalt  }
0x63: {  	_ =	shalt  }
0x64: {  	_ =	shalt  }
0x65: {  	_ =	shalt  }
0x66: {  	_ =	shalt  }
0x67: {  	_ =	shalt  }
0x68: {  	_ =	shalt  }
0x69: {  	_ =	shalt  }
0x6a: {  	_ =	shalt  }
0x6b: {  	_ =	shalt  }
0x6c: {  	_ =	shalt  }
0x6d: {  	_ =	shalt  }
0x6e: {  	_ =	shalt  }
0x6f: {  	_ =	shalt  }
0x70: {  	_ =	shalt  }
0x71: {  	_ =	shalt  }
0x72: {  	_ =	shalt  }
0x73: {  	_ =	shalt  }
0x74: {  	_ =	shalt  }
0x75: {  	_ =	shalt  }
0x76: {  	_ =	shalt  }
0x77: {  	_ =	shalt  }
0x78: {  	_ =	shalt  }
0x79: {  	_ =	shalt  }
0x7a: {  	_ =	shalt  }
0x7b: {  	_ =	shalt  }
0x7c: {  	_ =	shalt  }
0x7d: {  	_ =	shalt  }
0x7e: {  	_ =	shalt  }
0x7f: {  	_ =	shalt  }
0x80: {  	_ =	shalt  }
0x81: {  	_ =	shalt  }
0x82: {  	_ =	shalt  }
0x83: {  	_ =	shalt  }
0x84: {  	_ =	shalt  }
0x85: {  	_ =	shalt  }
0x86: {  	_ =	shalt  }
0x87: {  	_ =	shalt  }
.Lfunc_end0:
.L_simem_size_0:
called_computation_lowered:
.L_overlay_start_0:
0x88: {  	s2 =	sld [smem:$0x3FD9]  }
0x89: {  	s3 =	sld [smem:$0x3FFE];
	_ =	sdelay $0x1  }
0x8a: {  	s1 =	srdreg.scid  }
0x8b: {  	s0 =	sand.u32 $0x1, s1  }
0x8c: {  	s17 =	sshll.u32 s0, $0xA;
	s2 =	sadd.s32 s3, s2  }
0x8d: {  	s2 =	sadd.s32 s2, s17  }
0x8e: {  	[smem:$0x3FC6] =	sst s2  }
0x8f: {  	_ = 	snop  }
0x90: {  	s2 =	sld [smem:$0x3FD0];
	(tm) =	ssettm $0x1  }
0x91: {  	s18 =	sld [smem:$0x3FFB];
	_ =	sdelay $0x3  }
0x92: {  	_ =	strace s18  }
0x93: {  	s3 =	sld [smem:$0x3FFC];
	_ =	sdelay $0x3  }
0x94: {  	_ =	strace s3  }
0x95: {  	s3 =	sld [smem:$0x3FFD];
	_ =	sdelay $0x3  }
0x96: {  	_ =	strace s3  }
0x97: {  	_ =	strace $0x8FFFFFFF  }
0x98: {  	s19 =	sld [smem:$0x3FDB];
	_ =	sdelay $0x1  }
0x99: {  	s4 =	simm.s32 $_scs_section_size  }
0x9a: {  	s5 =	simm.s32 $_size__tile_overlayer_lowered;
	s6 =	simm.s32 $_tile_overlayer_lowered  }
0x9b: {  	s22 =	simm.s32 $0x1BFF;
	s21 =	sshll.u32 s6, $0x1;
	s3 =	sadd.s32 s4, s19  }
0x9c: {  	s7 =	simm.s32 $0x0;
	s20 =	sshll.u32 s5, $0x1;
	s5 =	sadd.s32 s21, s3  }
0x9d: {  	[timem:s7], [sflag:s22] =	dma.local [hbm:s5], s20  }
0x9e: {  	_ =	swait.ge [sflag:s22], s20  }
0x9f: {  	s4 =	ssub.s32 $0x0, s20;
	[sflag:s22] =	ssyncset.done $0x0  }
0xa0: {  	[sflag:s22] =	ssyncadd.s32 s4;
	_ =	sdelay $0x1  }
0xa1: {  	s23 =	simm.s32 $0x1B8B  }
0xa2: {  	_ =	swait.ge [sflag:s23], $0x1  }
0xa3: {  	[sflag:s23] =	ssyncset.done $0x0  }
0xa4: {  	s25 =	simm.s32 $0x1B8E;
	s24 =	sld [smem:$0x3FFE];
	[sflag:s23] =	ssyncadd.s32 $0xFFFFFFFF  }
0xa5: {  	s26 =	simm.s32 $execute0_lowered;
	[smem:$0x3FD2] =	sst s25  }
0xa6: {  	s5 =	sshll.u32 s26, $0x1;
	_ =	strace $0x80000046;
	[dreg:$0x1] =	wrdreg $0xFFFFFFFF  }
0xa7: {  	s28 =	simm.s32 $_size_execute0_lowered;
	s3 =	sadd.s32 s3, s5;
	[dreg:$0x0] =	wrdreg $0x0  }
0xa8: {  	s5 =	sshll.u32 s28, $0x1;
	[dreg:$0x2] =	wrdreg s3  }
0xa9: {  	[dreg:$0x3] =	wrdreg s5  }
0xaa: {  	[dreg:$0x4] =	wrdreg $0xC0  }
0xab: {  	_ =	task [dreg:s7], $0x5FFFF  }
0xac: {  	[dreg:$0x1] =	wrdreg $0xFFFFFFFF  }
0xad: {  	[dreg:$0x0] =	wrdreg $0x60  }
0xae: {  	[dreg:$0x2] =	wrdreg s24  }
0xaf: {  	[dreg:$0x3] =	wrdreg s2  }
0xb0: {  	[dreg:$0x4] =	wrdreg $0x9  }
0xb1: {  	_ =	task.clear_ibuf [dreg:s7], $0x5FFFF;
	_ =	strace $0x90000046  }
0xb2: {  	s29 =	simm.s32 $0x9;
	_ =	strace $0x80000048  }
0xb3: {  	_ =	swait.ge [sflag:s29], $0x1  }
0xb4: {  	[sflag:s29] =	ssyncadd.s32 $0xFFFFFFFF  }
0xb5: {  	_ =	strace $0x90000048  }
0xb6: {  	_ =	sfence  }
0xb7: {  	s30 =	sld [smem:$0x0];
	_ =	sdelay $0x2  }
0xb8: {  	s31 =	sshll.u32 s1, $0xD;
	s1 =	sshrl.u32 s1, $0x2  }
0xb9: {  	s3 =	sand.u32 $0x4000, s31;
	s1 =	sadd.s32 s1, s30  }
0xba: {  	s0 =	sor.u32 s3, s0;
	s1 =	sshll.u32 s1, $0x11  }
0xbb: {  	s0 =	sor.u32 s1, s0  }
0xbc: {  	s0 =	sadd.s32 $0x8F2B, s0  }
0xbd: {  	[sflag:s0] =	ssyncadd.remote.s32 $0x1  }
0xbe: {  	_ =	sfence.sel $0xFFFF  }
0xbf: {  	[dreg:$0x0] =	wrdreg $0xFFFFFFFF;
	(pc) =	sbr.abs _section_cstart, $3  }
0xc0: {  	[dreg:$0x1] =	wrdreg $0xFFFFFFFF  }
0xc1: {  	_ =	task.clear_ibuf [dreg:s7], $0x2FFFF;
	_ =	strace $0x9FFFFFFF  }
0xc2: {  	(tm) =	ssettm $0x7FFFFFFF  }
0xc3: {  	_ =	shalt  }
tec
execute0_lowered:
.L_overlay_start_1:
0x0: {  	(tag) =	ssettag $0x1  }
0x1: {  	s1 =	rddreg [dreg:$0x0]  }
0x2: {  	s0 =	srdreg.scid;
	s31 =	rddreg [dreg:$0x1]  }
0x3: {  	s4 =	stileid.u32;
	s3 =	simm.s32 $0x0;
	s12 =	simm.s32 $0x3F00  }
0x4: {  	s13 =	simm.s32 $0x1;
	s14 =	simm.s32 $0x7E80;
	s0 =	sand.u32 $0x1, s0  }
0x5: {  	s15 =	simm.s32 $0xBD80;
	s16 =	simm.s32 $0x18D00;
	s2 =	sshll.u32 s0, $0x4  }
0x6: {  	s17 =	simm.s32 $0x17D00;
	[smem:$0x7FF] =	sst s3;
	s2 =	sor.u32 s4, s2  }
0x7: {  	s0 =	ssub.s32 $0x2, s0;
	_ =	strace $0x80000047;
	s6 =	smul.u32 $0x7E00, s2  }
0x8: {  	s7 =	sshrl.u32 s0, $0x1;
	s8 =	smul.u32 $0x7F00, s2;
	s30 =	sshll.u32 s2, $0x4  }
0x9: {  	s0 =	ssub.s32 s0, s7;
	s2 =	sor.u32 $0x1, s30;
	[dreg:$0x5] =	wrdreg s30  }
0xa: {  	s5 =	sadd.s32 $0x400, s1;
	s0 =	smax.u32 s0, $0x1;
	[dreg:$0x6] =	wrdreg s2  }
0xb: {  	s4 =	sadd.s32 $0xFC400, s1;
	s1 =	sadd.s32 s5, s6;
	[dreg:$0x8] =	wrdreg s0  }
0xc: {  	s18 =	simm.s32 $0xFD00;
	s29 =	sadd.s32 s4, s8;
	[dreg:$0x3] =	wrdreg s1  }
0xd: {  	v0 =	vlaneseq.u32;
	v1 =	vimm.s32 $0x0;
	s19 =	simm.s32 $0x2;
	[dreg:$0x4] =	wrdreg s29;
	s1 =	sor.u32 $0x2, s30  }
0xe: {  	s20 =	simm.s32 $0x13D00;
	v3 =	vimm.s32 $0x1;
	v2 =	vor.u32 $0x800, v0;
	v4 =	vor.u32 $0x10, v0;
	s2 =	simm.s32 $0x0;
	[dreg:$0x7] =	wrdreg s1  }
.LBB2_1:
0xf: {  	[dreg:$0x9] =	wrdreg s2  }
0x10: {  	s0 =	rddreg [dreg:$0x3]  }
0x11: {  	[tilespmem:s3], [sflag:$0x1] =	stream.linear.gather [hbm4b:s0+s3], $0x3F00, $0x38;
	[tilespmem:$0x19580] =	vst v63  }
0x12: {  	s30 =	rddreg [dreg:$0x4];
	s24 =	simm.s32 $0x0  }
0x13: {  	[tilespmem:s12], [sflag:$0x1] =	stream.linear.gather [hbm4b:s30+s3], $0x3F80, $0x38;
	[tilespmem:$0x19580] =	vst v63  }
.LBB2_2:
0x14: {  	_ =	swait.ge [sflag:s13], $0x3F00  }
0x15: {  	s26 =	sshll.u32 s24, $0x1;
	[sflag:s13] =	ssyncset.done $0x0;
	s0 =	rddreg [dreg:$0x6]  }
0x16: {  	[sflag:s13] =	ssyncadd.s32 $0xFFFFC100;
	s25 =	sor.u32 s0, s26  }
0x17: {  	_ =	swait.ge [sflag:s13], $0x3F80;
	s0 =	smul.u32 $0x7E0, s25  }
0x18: {  	p0 =	seq.s32 s24, $0x0;
	[sflag:s13] =	ssyncset.done $0x0  }
0x19: {  	s1 =	smul.u32 $0x7F0, s25;
	[sflag:s13] =	ssyncadd.s32 $0xFFFFC080;
	s0 =	sadd.s32 s5, s0  }
0x1a: {  	[tilespmem:s14], [sflag:$0x2] =	stream.linear.gather [hbm4b:s0+s3], $0x3F00, $0x38;
	[tilespmem:$0x19580] =	vst v63  }
0x1b: {  	s8 =	smov.u32 s31;
	s31 =	sadd.s32 s4, s1;
	s0 =	simm.s32 @!p0 $0x3  }
0x1c: {  	[tilespmem:s15], [sflag:$0x2] =	stream.linear.gather [hbm4b:s31+s3], $0x3F80, $0x38;
	[tilespmem:$0x19580] =	vst v63  }
0x1d: {  	_ =	swait.ge @!p0 [sflag:s0], $0x4000  }
0x1e: {  	[sflag:s0] =	ssyncset.done @!p0 $0x0  }
0x1f: {  	s28 =	simm.s32 $0x0;
	s29 =	simm.s32 $0x0;
	[sflag:s0] =	ssyncadd.s32 @!p0 $0xFFFFC000  }
.LBB2_3:
0x20: {  	s0 =	sshll.u32 s29, $0x4  }
0x21: {  	v6 =	vor.u32 s0, v0  }
0x22: {  	v7 =	vmul.u32 $0x7E, v6  }
0x23: {  	s1 =	simm.s32 $0x4  }
0x24: {  	s2 =	simm.s32 $0x1;
	v5 =	vadd.s32 s1, v7  }
0x25: {  	s10 =	simm.s32 $0x5;
	v9 =	vadd.s32 s2, v7  }
0x26: {  	s6 =	simm.s32 $0x8;
	v10 =	vadd.s32 s10, v7  }
0x27: {  	s7 =	simm.s32 $0x2;
	v11 =	vadd.s32 s6, v7  }
0x28: {  	s11 =	simm.s32 $0x6;
	v12 =	vadd.s32 s7, v7  }
0x29: {  	s21 =	simm.s32 $0x3;
	v8 =	vmul.u32 $0x7F, v6;
	v13 =	vadd.s32 s11, v7;
	v5 =	vld.idx.msk [tilespmem:v5+s3+$0x0], $0xffff  }
0x2a: {  	v14 =	vadd.s32 s21, v7;
	v15 =	vld.idx.msk [tilespmem:v9+s3+$0x0], $0xffff  }
0x2b: {  	v16 =	vadd.s32 s11, v8;
	v10 =	vld.idx.msk [tilespmem:v10+s3+$0x0], $0xffff  }
0x2c: {  	s0 =	simm.s32 $0x9;
	v20 =	vadd.s32 s7, v8;
	v11 =	vld.idx.msk [tilespmem:v11+s3+$0x0], $0xffff  }
0x2d: {  	v17 =	vadd.s32 s0, v8;
	v12 =	vld.idx.msk [tilespmem:v12+s3+$0x0], $0xffff  }
0x2e: {  	v18 =	vadd.s32 s6, v8;
	v13 =	vld.idx.msk [tilespmem:v13+s3+$0x0], $0xffff  }
0x2f: {  	v22 =	vadd.s32 s28, v7;
	v23 =	vadd.s32 s21, v8;
	s21 =	simm.s32 $0xB;
	v14 =	vld.idx.msk [tilespmem:v14+s3+$0x0], $0xffff  }
0x30: {  	v29 =	vadd.s32 s21, v7;
	v19 =	vld.idx.msk [tilespmem:v16+s12+$0x0], $0xffff  }
0x31: {  	v9 =	vadd.s32 s10, v8;
	v31 =	vld.idx.msk [tilespmem:v20+s12+$0x0], $0xffff;
	v21 =	vadd.f32 $9.999999740e-06, v5  }
0x32: {  	s11 =	simm.s32 $0x7;
	v24 =	vadd.f32 $9.999999740e-06, v10;
	v16 =	vadd.f32 $9.999999740e-06, v11;
	v5 =	vld.idx.msk [tilespmem:v17+s12+$0x0], $0xffff  }
0x33: {  	v17 =	vadd.f32 $9.999999740e-06, v12;
	v12 =	vadd.s32 s11, v7;
	v10 =	vld.idx.msk [tilespmem:v18+s12+$0x0], $0xffff;
	(erf) = vrcp.f32 v21  }
0x34: {  	v27 =	vimm.f32 $0.0e+00;
	s22 =	simm.s32 $0xD;
	s23 =	simm.s32 $0xE;
	v25 =	vadd.s32 s1, v8;
	v18 =	vld.idx.msk [tilespmem:v22+s3+$0x0], $0xffff;
	(erf) = vrcp.f32 v24  }
0x35: {  	v30 =	vadd.s32 s22, v7;
	v32 =	vadd.s32 s23, v7;
	v29 =	vld.idx.msk [tilespmem:v29+s3+$0x0], $0xffff;
	(erf) = vrcp.f32 v16  }
0x36: {  	s9 =	simm.s32 $0xF;
	v9 =	vld.idx.msk [tilespmem:v9+s12+$0x0], $0xffff;
	v20 =	vadd.f32 $9.999999740e-06, v14;
	v14 =	vadd.s32 s2, v8;
	(erf) = vrcp.f32 v17  }
0x37: {  	s6 =	simm.s32 $0xA;
	v34 =	vadd.s32 s9, v7;
	v49 =	vadd.s32 s23, v8;
	v11 =	vld.idx.msk [tilespmem:v23+s12+$0x0], $0xffff;
	v22 =	vadd.s32 s11, v8  }
0x38: {  	v52 =	vadd.s32 s9, v8;
	v28 =	vadd.s32 s6, v7;
	v33 =	vadd.s32 s21, v8;
	v23 =	vld.idx.msk [tilespmem:v12+s3+$0x0], $0xffff  }
0x39: {  	s7 =	simm.s32 $0x12;
	v25 =	vld.idx.msk [tilespmem:v25+s12+$0x0], $0xffff;
	v39 =	vadd.f32 $9.999999740e-06, v13;
	v18 =	vadd.f32 $9.999999740e-06, v18;
	(erf) = vrcp.f32 v20  }
0x3a: {  	s23 =	simm.s32 $0xC;
	v46 =	vadd.s32 s7, v8;
	v13 =	vadd.f32 $9.999999740e-06, v15;
	v29 =	vadd.f32 $9.999999740e-06, v29  }
0x3b: {  	v56 =	vadd.s32 s23, v8;
	v26 =	vsub.f32 v19, v9;
	v40 =	vld.idx.msk [tilespmem:v14+s12+$0x0], $0xffff;
	v42 =	vadd.f32 v18, v27  }
0x3c: {  	v12 =	vadd.s32 s22, v8;
	v36 =	vsub.f32 v5, v10;
	v43 =	vld.idx.msk [tilespmem:v22+s12+$0x0], $0xffff;
	v35 =	vpop (erf);
	(erf) = vrcp.f32 v18  }
0x3d: {  	v22 =	vld.idx.msk [tilespmem:v30+s3+$0x0], $0xffff;
	v30 =	vadd.f32 v13, v42;
	v44 =	vadd.f32 $9.999999740e-06, v23;
	v38 =	vpop (erf);
	(erf) = vrcp.f32 v39  }
0x3e: {  	v37 =	vsub.f32 v11, v31;
	v15 =	vsub.f32 v25, v11;
	s22 =	simm.s32 $0x11;
	v41 =	vpop (erf);
	(erf) = vrcp.f32 v13  }
0x3f: {  	v58 =	vadd.s32 s22, v7;
	v48 =	vadd.f32 v17, v30;
	v13 =	vld.idx.msk [tilespmem:v8+s12+$0x0], $0xffff;
	v18 =	vpop (erf);
	(erf) = vrcp.f32 v44  }
0x40: {  	v47 =	vsub.f32 v31, v40;
	v45 =	vmul.f32 v18, v37;
	v18 =	vsub.f32 v9, v25  }
0x41: {  	v32 =	vld.idx.msk [tilespmem:v32+s3+$0x0], $0xffff;
	v54 =	vadd.s32 s22, v8;
	v51 =	vsub.f32 v43, v19;
	v20 =	vadd.f32 v20, v48  }
0x42: {  	v17 =	vadd.f32 $9.999999740e-06, v22;
	v62 =	vmul.f32 v38, v26;
	v23 =	vpop (erf);
	v35 =	vmul.f32 v35, v18  }
0x43: {  	v60 =	vadd.f32 v21, v20;
	v50 =	vmul.f32 v23, v15;
	v15 =	vld.idx.msk [tilespmem:v28+s3+$0x0], $0xffff;
	v28 =	vadd.s32 s23, v7  }
0x44: {  	s30 =	simm.s32 $0x17D90;
	v36 =	vmul.f32 v41, v36;
	v59 =	vsub.f32 v40, v13;
	v20 =	vmul.f32 v35, v20  }
0x45: {  	v61 =	vld.idx.msk [tilespmem:v58+s3+$0x0], $0xffff;
	v58 =	vadd.s32 s0, v7;
	(erf) = vrcp.f32 v17;
	[tilespmem:s30+$0x20] =	vst v62;
	v53 =	vadd.f32 v24, v60;
	v21 =	vpop (erf)  }
0x46: {  	v22 =	vld.idx.msk [tilespmem:v34+s3+$0x0], $0xffff;
	[tilespmem:s30+$0x80] =	vst v36;
	v18 =	vadd.f32 $9.999999740e-06, v32;
	v24 =	vsub.f32 v10, v43;
	v37 =	vmul.f32 v21, v59;
	v21 =	vpop (erf)  }
0x47: {  	v32 =	vld.idx.msk [tilespmem:v33+s12+$0x0], $0xffff;
	v23 =	vmul.f32 v50, v48;
	v63 =	vadd.f32 v39, v53;
	v39 =	vmul.f32 v62, v60;
	v26 =	vpop (erf)  }
0x48: {  	[tilespmem:s30+$0xFFFFFFC0] =	vst v45;
	v62 =	vmul.f32 v45, v30;
	(erf) = vrcp.f32 v18;
	v55 =	vsub.f32 v25, v20;
	v28 =	vld.idx.msk [tilespmem:v28+s3+$0x0], $0xffff;
	v20 =	vpop (erf)  }
0x49: {  	s10 =	simm.s32 $0x10;
	[tilespmem:s30+$0xFFFFFFE0] =	vst v50;
	v44 =	vadd.f32 v44, v63;
	v51 =	vmul.f32 v21, v51;
	v57 =	vmul.f32 v20, v24  }
0x4a: {  	v14 =	vadd.s32 s10, v7;
	[tilespmem:s30+$0x0] =	vst v35;
	v25 =	vld.idx.msk [tilespmem:v52+s12+$0x0], $0xffff;
	v38 =	vmul.f32 v26, v47;
	v41 =	vmul.f32 v37, v27  }
0x4b: {  	v21 =	vld.idx.msk [tilespmem:v49+s12+$0x0], $0xffff;
	[tilespmem:s30+$0xFFFFFFF0] =	vst v55;
	v36 =	vmul.f32 v36, v44;
	v24 =	vadd.f32 $9.999999740e-06, v61;
	v61 =	vmul.f32 v57, v63  }
0x4c: {  	v16 =	vadd.f32 v16, v44;
	v20 =	vld.idx.msk [tilespmem:v46+s12+$0x0], $0xffff;
	v60 =	vmul.f32 v51, v53;
	v59 =	vmul.f32 v38, v42  }
0x4d: {  	v27 =	vld.idx.msk [tilespmem:v54+s12+$0x0], $0xffff;
	[tilespmem:s30+$0x40] =	vst v51;
	(erf) = vrcp.f32 v24;
	v33 =	vadd.f32 $9.999999740e-06, v28;
	v63 =	vsub.f32 v43, v61  }
0x4e: {  	v26 =	vadd.s32 s10, v8;
	v42 =	vld.idx.msk [tilespmem:v58+s3+$0x0], $0xffff;
	v19 =	vsub.f32 v19, v60;
	[tilespmem:s30+$0x60] =	vst v57;
	v34 =	vsub.f32 v40, v59  }
0x4f: {  	s31 =	simm.s32 $0x18DD0;
	s1 =	simm.s32 $0x18D40;
	s0 =	simm.s32 $0x17EB0;
	v30 =	vpop (erf);
	v28 =	vld.idx.msk [tilespmem:v56+s12+$0x0], $0xffff;
	(erf) = vrcp.f32 v29;
	v40 =	vadd.s32 s6, v8;
	v43 =	vsub.f32 v31, v62;
	[tilespmem:s30+$0x50] =	vst v63  }
.LBB2_4:
0x50: {  	s6 =	sadd.s32 $0x1, s7;
	v44 =	vld.idx.msk [tilespmem:v12+s12+$0x0], $0xffff;
	v45 =	vsub.f32 v25, v21;
	(erf) = vrcp.f32 v33  }
0x51: {  	s9 =	sadd.s32 $0x2, s7;
	s21 =	sadd.s32 $0x3, s7;
	v41 =	vsub.f32 v13, v41;
	[tilespmem:s30+$0xFFFFFF80] =	vst v37;
	v31 =	vmovc v25;
	v13 =	vmovc v5;
	v5 =	vmov v20;
	v35 =	vmov v24;
	s11 =	smov.u32 s7  }
0x52: {  	s23 =	sadd.s32 $0x9, s7;
	v24 =	vadd.s32 s6, v7;
	v25 =	vadd.s32 s9, v7;
	s10 =	sadd.s32 $0x4, s11;
	s2 =	sadd.s32 $0x5, s11;
	v37 =	vld.idx.msk [tilespmem:v14+s3+$0x0], $0xffff;
	[tilespmem:s30+$0xFFFFFFB0] =	vst v43;
	v43 =	vsub.f32 v10, v36;
	v10 =	vmovc v27  }
0x53: {  	p0 =	slt.u32 s7, $0x75;
	v39 =	vsub.f32 v9, v39;
	v9 =	vmovc v21;
	s22 =	sadd.s32 $0x6, s11;
	v36 =	vmovc v32;
	v27 =	vadd.s32 s10, v7;
	v46 =	vadd.s32 s2, v7;
	[tilespmem:s1+$0x0] =	vst v1  }
0x54: {  	v23 =	vsub.f32 v11, v23;
	v32 =	vadd.s32 s9, v8;
	v21 =	vadd.s32 s22, v7;
	[tilespmem:s30+$0xFFFFFFA0] =	vst v38  }
0x55: {  	s7 =	sadd.s32 $0x7, s11;
	v12 =	vadd.s32 s10, v8;
	v20 =	vsub.f32 v20, v10;
	v49 =	vadd.f32 $9.999999740e-06, v42;
	v40 =	vld.idx.msk [tilespmem:v40+s12+$0x0], $0xffff;
	v38 =	vpop (erf);
	[tilespmem:s30+$0xFFFFFF70] =	vst v41  }
0x56: {  	v14 =	vadd.s32 s7, v7;
	v42 =	vadd.f32 $9.999999740e-06, v22;
	v41 =	vsub.f32 v28, v36;
	v22 =	vpop (erf);
	[tilespmem:s30+$0x10] =	vst v39  }
0x57: {  	v50 =	vadd.f32 $9.999999740e-06, v15;
	v11 =	vmovc v28;
	v47 =	vadd.f32 v49, v16;
	v48 =	vld.idx.msk [tilespmem:v26+s12+$0x0], $0xffff;
	(erf) = vrcp.f32 v49;
	[tilespmem:s1+$0x10] =	vst v1  }
0x58: {  	v28 =	vadd.f32 $9.999999740e-06, v37;
	v26 =	vld.idx.msk [tilespmem:v27+s3+$0x0], $0xffff;
	v27 =	vsub.f32 v44, v11;
	v37 =	vpop (erf);
	(erf) = vrcp.f32 v42;
	[tilespmem:s30+$0x70] =	vst v43  }
0x59: {  	s9 =	sadd.s32 $0x8, s11;
	v43 =	vadd.f32 v50, v47;
	v15 =	vld.idx.msk [tilespmem:v24+s3+$0x0], $0xffff;
	v49 =	vmul.f32 v37, v41;
	(erf) = vrcp.f32 v50;
	[tilespmem:s30+$0xFFFFFFD0] =	vst v23  }
0x5a: {  	v37 =	vadd.s32 s9, v7;
	v23 =	vsub.f32 v9, v44;
	v24 =	vld.idx.msk [tilespmem:v46+s3+$0x0], $0xffff;
	v39 =	vpop (erf);
	(erf) = vrcp.f32 v28;
	[tilespmem:s1+$0xFFFFFFC0] =	vst v1  }
0x5b: {  	v46 =	vadd.s32 s23, v8;
	v50 =	vsub.f32 v36, v40;
	v29 =	vadd.f32 v29, v43;
	[tilespmem:s30+$0xFFFFFF90] =	vst v34  }
0x5c: {  	v34 =	vadd.s32 s2, v8;
	v27 =	vmul.f32 v39, v27;
	v30 =	vmul.f32 v30, v23;
	[tilespmem:s1+$0xFFFFFFF0] =	vst v1  }
0x5d: {  	v51 =	vmul.f32 v22, v20;
	v33 =	vadd.f32 v33, v29;
	v39 =	vsub.f32 v48, v31;
	[tilespmem:s1+$0xFFFFFFE0] =	vst v1  }
0x5e: {  	v20 =	vadd.s32 s22, v8;
	v52 =	vadd.f32 $9.999999740e-06, v26;
	v23 =	vmul.f32 v27, v29;
	[tilespmem:s0+$0xFFFFFFC0] =	vst v49  }
0x5f: {  	v41 =	vsub.f32 v40, v13;
	v26 =	vadd.s32 s21, v7;
	v17 =	vadd.f32 v17, v33;
	v22 =	vld.idx.msk [tilespmem:v21+s3+$0x0], $0xffff;
	[tilespmem:s1+$0x30] =	vst v1  }
0x60: {  	v57 =	vmul.f32 v30, v33;
	v53 =	vadd.f32 $9.999999740e-06, v24;
	v24 =	vld.idx.msk [tilespmem:v37+s3+$0x0], $0xffff;
	(erf) = vrcp.f32 v52;
	[tilespmem:s0+$0xFFFFFFE0] =	vst v27;
	v29 =	vpop (erf)  }
0x61: {  	v18 =	vadd.f32 v18, v17;
	v37 =	vmul.f32 v29, v41;
	v29 =	vmul.f32 v38, v45;
	v21 =	vpop (erf);
	[tilespmem:s1+$0x40] =	vst v1  }
0x62: {  	v55 =	vsub.f32 v10, v48;
	v45 =	vadd.s32 s9, v8;
	v33 =	vld.idx.msk [tilespmem:v25+s3+$0x0], $0xffff;
	v54 =	vmul.f32 v21, v39;
	[tilespmem:s0+$0x80] =	vst v51;
	v25 =	vpop (erf)  }
0x63: {  	v56 =	vadd.s32 s21, v8;
	v44 =	vsub.f32 v44, v57;
	v21 =	vld.idx.msk [tilespmem:v34+s12+$0x0], $0xffff;
	[tilespmem:s0+$0x0] =	vst v30;
	v30 =	vadd.f32 v42, v18;
	v27 =	vpop (erf)  }
0x64: {  	v41 =	vmul.f32 v37, v16;
	v38 =	vmul.f32 v25, v50;
	v57 =	vld.idx.msk [tilespmem:v26+s3+$0x0], $0xffff;
	v26 =	vadd.s32 s7, v8;
	[tilespmem:s0+$0x20] =	vst v29  }
0x65: {  	v42 =	vadd.s32 s11, v7;
	v39 =	vmul.f32 v29, v17;
	v50 =	vmul.f32 v27, v55;
	v25 =	vld.idx.msk [tilespmem:v20+s12+$0x0], $0xffff;
	[tilespmem:s30+$0x30] =	vst v19;
	s30 =	smov.u32 s0  }
0x66: {  	v18 =	vmul.f32 v54, v18;
	v24 =	vadd.f32 $9.999999740e-06, v24;
	v16 =	vmul.f32 v38, v47;
	v20 =	vld.idx.msk [tilespmem:v46+s12+$0x0], $0xffff;
	[tilespmem:s1+$0x20] =	vst v1  }
.Ltmp0:
0x67: {  	v19 =	vmul.f32 v50, v30;
	v27 =	vld.idx.msk [tilespmem:v45+s12+$0x0], $0xffff;
	(erf) = vrcp.f32 v53;
	v45 =	vadd.f32 v28, v30;
	[tilespmem:s1+$0xFFFFFFD0] =	vst v1;
	s1 =	smov.u32 s31;
	(pc) =	sbr.rel @p0 .LBB2_4-.Ltmp0, $4  }
0x68: {  	v17 =	vmovc v52;
	v29 =	vadd.f32 $9.999999740e-06, v33;
	v34 =	vsub.f32 v40, v16;
	v32 =	vld.idx.msk [tilespmem:v32+s12+$0x0], $0xffff;
	(erf) = vrcp.f32 v24;
	[tilespmem:s0+$0x40] =	vst v54  }
0x69: {  	v43 =	vmul.f32 v49, v43;
	v30 =	vpop (erf);
	[tilespmem:s0+$0xFFFFFFF0] =	vst v44;
	v44 =	vsub.f32 v48, v19;
	v16 =	vadd.f32 v35, v45  }
0x6a: {  	v33 =	vadd.f32 $9.999999740e-06, v57;
	v19 =	vsub.f32 v31, v18;
	v18 =	vmovc v53;
	v42 =	vld.idx.msk [tilespmem:v42+s3+$0x0], $0xffff;
	(erf) = vrcp.f32 v29;
	[tilespmem:s0+$0x60] =	vst v50  }
0x6b: {  	v43 =	vsub.f32 v36, v43;
	s7 =	smov.u32 s23;
	v40 =	vadd.s32 s6, v8;
	s31 =	sadd.s32 $0x90, s31;
	v36 =	vmul.f32 v51, v45;
	s0 =	sadd.s32 $0x120, s0;
	v28 =	vld.idx.msk [tilespmem:v56+s12+$0x0], $0xffff;
	[tilespmem:s30+$0x50] =	vst v44  }
0x6c: {  	[tilespmem:s30+$0xFFFFFF80] =	vst v37  }
0x6d: {  	[tilespmem:s1+$0x0] =	vst v1  }
0x6e: {  	[tilespmem:s30+$0xFFFFFFA0] =	vst v38  }
0x6f: {  	[tilespmem:s30+$0xFFFFFF90] =	vst v34  }
0x70: {  	[tilespmem:s1+$0x30] =	vst v1  }
0x71: {  	[tilespmem:s30+$0x30] =	vst v19  }
0x72: {  	[tilespmem:s30+$0xFFFFFFB0] =	vst v43  }
0x73: {  	v8 =	vsub.f32 v13, v41;
	[tilespmem:s1+$0x20] =	vst v1  }
0x74: {  	v13 =	vld.idx.msk [tilespmem:v14+s3+$0x0], $0xffff;
	v9 =	vsub.f32 v9, v39;
	[tilespmem:s1+$0xFFFFFFD0] =	vst v1  }
0x75: {  	v11 =	vsub.f32 v11, v23;
	[tilespmem:s30+$0xFFFFFF70] =	vst v8;
	v8 =	vsub.f32 v10, v36  }
0x76: {  	(erf) = vrcp.f32 v33;
	[tilespmem:s30+$0x10] =	vst v9;
	v10 =	vadd.f32 $9.999999740e-06, v42  }
0x77: {  	v9 =	vld.idx.msk [tilespmem:v12+s12+$0x0], $0xffff;
	v12 =	vadd.f32 $9.999999740e-06, v22;
	[tilespmem:s30+$0xFFFFFFD0] =	vst v11  }
0x78: {  	v14 =	vadd.f32 $9.999999740e-06, v15;
	[tilespmem:s1+$0xFFFFFFE0] =	vst v1;
	(erf) = vrcp.f32 v10  }
0x79: {  	[tilespmem:s30+$0x70] =	vst v8;
	v10 =	vadd.f32 v10, v16;
	v13 =	vadd.f32 $9.999999740e-06, v13;
	v8 =	vpop (erf);
	(erf) = vrcp.f32 v12  }
0x7a: {  	v58 =	vsub.f32 v25, v21;
	[tilespmem:s1+$0x10] =	vst v1;
	v15 =	vpop (erf);
	(erf) = vrcp.f32 v14  }
0x7b: {  	v26 =	vld.idx.msk [tilespmem:v26+s12+$0x0], $0xffff;
	[tilespmem:s1+$0xFFFFFFC0] =	vst v1;
	v11 =	vsub.f32 v28, v32;
	v14 =	vadd.f32 v14, v10;
	v53 =	vpop (erf);
	(erf) = vrcp.f32 v13  }
0x7c: {  	v31 =	vsub.f32 v20, v27;
	v61 =	vld.idx.msk [tilespmem:v40+s12+$0x0], $0xffff;
	[tilespmem:s1+$0xFFFFFFF0] =	vst v1;
	v8 =	vmul.f32 v8, v58  }
0x7d: {  	[tilespmem:s1+$0x40] =	vst v1;
	v56 =	vsub.f32 v21, v9;
	v11 =	vmul.f32 v53, v11;
	v29 =	vadd.f32 v29, v14  }
0x7e: {  	v54 =	vsub.f32 v9, v28;
	v15 =	vmul.f32 v15, v31;
	[tilespmem:s0+$0x20] =	vst v8  }
0x7f: {  	v55 =	vpop (erf);
	v23 =	vmul.f32 v30, v56;
	[tilespmem:s0+$0xFFFFFFC0] =	vst v11;
	v57 =	vadd.f32 v33, v29;
	v11 =	vmul.f32 v11, v14  }
0x80: {  	v35 =	vsub.f32 v27, v26;
	v22 =	vmul.f32 v55, v54;
	[tilespmem:s0+$0x80] =	vst v15  }
0x81: {  	[tilespmem:s0+$0x0] =	vst v23;
	v17 =	vadd.f32 v17, v57;
	v23 =	vmul.f32 v23, v57;
	v11 =	vsub.f32 v32, v11;
	v59 =	vpop (erf)  }
0x82: {  	v63 =	vsub.f32 v26, v25;
	v43 =	vsub.f32 v61, v5;
	[tilespmem:s0+$0xFFFFFFE0] =	vst v22;
	v60 =	vpop (erf)  }
0x83: {  	v18 =	vadd.f32 v18, v17;
	v9 =	vsub.f32 v9, v23;
	[tilespmem:s0+$0xFFFFFFB0] =	vst v11;
	v62 =	vpop (erf)  }
0x84: {  	v14 =	vmul.f32 v59, v43;
	v8 =	vmul.f32 v8, v17;
	[tilespmem:s31+$0xFFFFFFE0] =	vst v1;
	v40 =	vpop (erf)  }
0x85: {  	v19 =	vmul.f32 v60, v63;
	v12 =	vadd.f32 v12, v18;
	[tilespmem:s0+$0xFFFFFFF0] =	vst v9;
	v41 =	vmul.f32 v40, v35  }
0x86: {  	[tilespmem:s0+$0xFFFFFF80] =	vst v14  }
0x87: {  	v8 =	vsub.f32 v21, v8;
	[tilespmem:s0+$0x40] =	vst v19;
	v42 =	vmul.f32 v41, v12  }
0x88: {  	[tilespmem:s31+$0x0] =	vst v1  }
0x89: {  	[tilespmem:s0+$0x10] =	vst v8;
	v9 =	vsub.f32 v26, v42  }
0x8a: {  	v44 =	vsub.f32 v32, v61;
	[tilespmem:s0+$0x60] =	vst v41  }
0x8b: {  	v12 =	vadd.f32 v13, v12;
	[tilespmem:s0+$0x50] =	vst v9;
	v9 =	vmul.f32 v14, v16  }
0x8c: {  	[tilespmem:s31+$0x10] =	vst v1;
	v14 =	vmul.f32 v62, v44  }
0x8d: {  	[tilespmem:s31+$0x30] =	vst v1;
	v5 =	vsub.f32 v5, v9;
	v9 =	vmul.f32 v15, v12  }
0x8e: {  	v11 =	vmul.f32 v22, v29;
	[tilespmem:s0+$0xFFFFFFA0] =	vst v14  }
0x8f: {  	v8 =	vmul.f32 v14, v10;
	[tilespmem:s0+$0xFFFFFF70] =	vst v5;
	v5 =	vsub.f32 v27, v9  }
0x90: {  	v9 =	vsub.f32 v28, v11;
	[tilespmem:s31+$0xFFFFFFC0] =	vst v1  }
0x91: {  	[tilespmem:s0+$0x70] =	vst v5;
	v5 =	vsub.f32 v61, v8  }
0x92: {  	[tilespmem:s0+$0xFFFFFFD0] =	vst v9  }
0x93: {  	[tilespmem:s0+$0xFFFFFF90] =	vst v5;
	v5 =	vmul.f32 v19, v18  }
0x94: {  	[tilespmem:s31+$0xFFFFFFF0] =	vst v1  }
0x95: {  	[tilespmem:s31+$0x40] =	vst v1;
	v5 =	vsub.f32 v25, v5  }
0x96: {  	[tilespmem:s31+$0xFFFFFFD0] =	vst v1  }
0x97: {  	[tilespmem:s0+$0x30] =	vst v5  }
0x98: {  	s11 =	simm.s32 $0x0;
	[tilespmem:s31+$0x20] =	vst v1  }
0x99: {  	v8 =	vimm.f32 $0.0e+00;
	v9 =	vadd.s32 s11, v7;
	[tilespmem:$0x18CC0] =	vst v20  }
0x9a: {  	s21 =	simm.s32 $0x1;
	[tilespmem:$0x18CD0] =	vst v8  }
0x9b: {  	s22 =	simm.s32 $0x2;
	v10 =	vadd.s32 s21, v7;
	v5 =	vadd.f32 v24, v12;
	[tilespmem:$0x194E0] =	vst v1  }
0x9c: {  	v11 =	vadd.s32 s22, v7;
	[tilespmem:$0x194F0] =	vst v1  }
0x9d: {  	(erf) = vrcp.f32 v5;
	[tilespmem:$0x19500] =	vst v1  }
0x9e: {  	s23 =	simm.s32 $0x3;
	v9 =	vld.idx.msk [tilespmem:v9+s3+$0x0], $0xffff  }
0x9f: {  	v12 =	vadd.s32 s23, v7  }
0xa0: {  	s30 =	simm.s32 $0x4;
	v10 =	vld.idx.msk [tilespmem:v10+s3+$0x0], $0xffff  }
0xa1: {  	v13 =	vadd.s32 s30, v7;
	v11 =	vld.idx.msk [tilespmem:v11+s3+$0x0], $0xffff  }
0xa2: {  	s31 =	simm.s32 $0x5  }
0xa3: {  	v14 =	vadd.s32 s31, v7;
	v9 =	vadd.f32 $9.999999740e-06, v9  }
0xa4: {  	s1 =	simm.s32 $0x6;
	v12 =	vld.idx.msk [tilespmem:v12+s3+$0x0], $0xffff  }
0xa5: {  	s6 =	simm.s32 $0x8;
	s30 =	simm.s32 $0x10;
	v16 =	vadd.s32 s1, v7;
	v10 =	vadd.f32 $9.999999740e-06, v10;
	v9 =	vadd.f32 v9, v8  }
0xa6: {  	s2 =	simm.s32 $0x7;
	v17 =	vadd.s32 s6, v7;
	v52 =	vadd.s32 s30, v7;
	v13 =	vld.idx.msk [tilespmem:v13+s3+$0x0], $0xffff;
	v11 =	vadd.f32 $9.999999740e-06, v11;
	v15 =	vpop (erf)  }
0xa7: {  	s21 =	simm.s32 $0xD;
	s22 =	simm.s32 $0xE;
	s11 =	simm.s32 $0xC;
	v8 =	vmul.f32 $1.280000000e+02, v15;
	v15 =	vadd.s32 s2, v7;
	v10 =	vadd.f32 v10, v9  }
0xa8: {  	s9 =	simm.s32 $0xA;
	v47 =	vadd.s32 s21, v7;
	v48 =	vadd.s32 s22, v7;
	v46 =	vadd.s32 s11, v7;
	v14 =	vld.idx.msk [tilespmem:v14+s3+$0x0], $0xffff  }
0xa9: {  	v19 =	vadd.s32 s9, v7;
	s23 =	simm.s32 $0xF;
	v12 =	vadd.f32 $9.999999740e-06, v12;
	v11 =	vadd.f32 v11, v10  }
0xaa: {  	v51 =	vadd.s32 s23, v7;
	s31 =	simm.s32 $0x11;
	v16 =	vld.idx.msk [tilespmem:v16+s3+$0x0], $0xffff;
	v9 =	vmul.f32 v9, v8;
	v10 =	vmul.f32 v10, v8  }
0xab: {  	v54 =	vadd.s32 s31, v7;
	v13 =	vadd.f32 $9.999999740e-06, v13;
	v12 =	vadd.f32 v12, v11  }
0xac: {  	v9 =	vsub.f32 $1.285000000e+02, v9;
	v11 =	vmul.f32 v11, v8;
	v10 =	vsub.f32 $1.285000000e+02, v10;
	v15 =	vld.idx.msk [tilespmem:v15+s3+$0x0], $0xffff  }
0xad: {  	v18 =	vmul.f32 v12, v8;
	v12 =	vadd.f32 v13, v12;
	v13 =	vadd.f32 $9.999999740e-06, v14  }
0xae: {  	v9 =	vtrunc.f32 v9;
	v14 =	vld.idx.msk [tilespmem:v17+s3+$0x0], $0xffff;
	v10 =	vtrunc.f32 v10;
	v11 =	vsub.f32 $1.285000000e+02, v11  }
0xaf: {  	v17 =	vmul.f32 v12, v8;
	v12 =	vadd.f32 v13, v12;
	v13 =	vadd.f32 $9.999999740e-06, v16  }
0xb0: {  	v9 =	vcvt.f32.s32 v9;
	v10 =	vcvt.f32.s32 v10;
	v16 =	vsub.f32 $1.285000000e+02, v18  }
0xb1: {  	s7 =	simm.s32 $0x9;
	v18 =	vmul.f32 v12, v8;
	v12 =	vadd.f32 v13, v12;
	v13 =	vadd.f32 $9.999999740e-06, v15  }
0xb2: {  	v15 =	vtrunc.f32 v16;
	v16 =	vsub.f32 $1.285000000e+02, v17;
	v17 =	vadd.s32 s7, v7  }
0xb3: {  	v11 =	vtrunc.f32 v11;
	v14 =	vadd.f32 $9.999999740e-06, v14;
	v13 =	vadd.f32 v13, v12  }
0xb4: {  	v11 =	vcvt.f32.s32 v11;
	v16 =	vtrunc.f32 v16;
	v18 =	vsub.f32 $1.285000000e+02, v18  }
0xb5: {  	s10 =	simm.s32 $0xB;
	v12 =	vmul.f32 v12, v8;
	v20 =	vmul.f32 v13, v8;
	v13 =	vadd.f32 v14, v13  }
0xb6: {  	v14 =	vcvt.f32.s32 v16;
	v16 =	vtrunc.f32 v18;
	v18 =	vadd.s32 s10, v7  }
0xb7: {  	v10 =	vshll.u32 v10, $0x4;
	v12 =	vsub.f32 $1.285000000e+02, v12;
	v17 =	vld.idx.msk [tilespmem:v17+s3+$0x0], $0xffff;
	v45 =	vmul.f32 v13, v8  }
0xb8: {  	v9 =	vshll.u32 v9, $0x4;
	v15 =	vcvt.f32.s32 v15;
	v20 =	vsub.f32 $1.285000000e+02, v20  }
0xb9: {  	v19 =	vld.idx.msk [tilespmem:v19+s3+$0x0], $0xffff;
	v49 =	vshll.u32 v11, $0x4;
	v12 =	vtrunc.f32 v12;
	v21 =	vsub.f32 $1.285000000e+02, v45  }
0xba: {  	v58 =	vsub.s32 v2, v49;
	v12 =	vcvt.f32.s32 v12;
	v20 =	vtrunc.f32 v20  }
0xbb: {  	v11 =	vshll.u32 v15, $0x4;
	v20 =	vcvt.f32.s32 v20;
	v18 =	vld.idx.msk [tilespmem:v18+s3+$0x0], $0xffff;
	v21 =	vtrunc.f32 v21  }
0xbc: {  	v55 =	vsub.s32 v2, v11;
	v15 =	vadd.f32 $9.999999740e-06, v17;
	v21 =	vcvt.f32.s32 v21  }
0xbd: {  	v50 =	vld.idx.msk [tilespmem:v46+s3+$0x0], $0xffff;
	v16 =	vcvt.f32.s32 v16;
	v12 =	vshll.u32 v12, $0x4;
	v20 =	vshll.u32 v20, $0x4  }
0xbe: {  	v13 =	vadd.f32 v15, v13;
	v15 =	vadd.f32 $9.999999740e-06, v19;
	v17 =	vshll.u32 v21, $0x4  }
0xbf: {  	v53 =	vsub.s32 v2, v12;
	v19 =	vsub.s32 v2, v20;
	v20 =	vld.idx.msk [tilespmem:v47+s3+$0x0], $0xffff;
	v17 =	vsub.s32 v2, v17  }
0xc0: {  	v12 =	vmul.f32 v13, v8;
	v13 =	vadd.f32 v15, v13;
	v15 =	vadd.f32 $9.999999740e-06, v18  }
0xc1: {  	v11 =	vsub.s32 v2, v10;
	v14 =	vshll.u32 v14, $0x4;
	v16 =	vshll.u32 v16, $0x4;
	v18 =	vld.idx.msk [tilespmem:v48+s3+$0x0], $0xffff  }
0xc2: {  	v57 =	vld.idx.msk [tilespmem:v51+s3+$0x0], $0xffff;
	v56 =	vmul.f32 v13, v8;
	v13 =	vadd.f32 v15, v13;
	v15 =	vadd.f32 $9.999999740e-06, v50  }
0xc3: {  	v14 =	vsub.s32 v2, v14;
	[tilespmem:v58+s16+$0x0] =	vst.idx.add.s32.msk $0xffff, v3;
	v16 =	vsub.s32 v2, v16;
	v12 =	vsub.f32 $1.285000000e+02, v12  }
0xc4: {  	v10 =	vmul.f32 v13, v8;
	v13 =	vadd.f32 v15, v13;
	v15 =	vadd.f32 $9.999999740e-06, v20;
	v20 =	vld.idx.msk [tilespmem:v52+s3+$0x0], $0xffff  }
0xc5: {  	v59 =	vsub.f32 $1.285000000e+02, v56;
	[tilespmem:v17+s16+$0x0] =	vst.idx.add.s32.msk $0xffff, v3;
	v17 =	vtrunc.f32 v12;
	v12 =	vsub.s32 v2, v9  }
0xc6: {  	[tilespmem:v19+s16+$0x0] =	vst.idx.add.s32.msk $0xffff, v3;
	v18 =	vadd.f32 $9.999999740e-06, v18;
	v19 =	vmul.f32 v13, v8;
	v13 =	vadd.f32 v15, v13  }
0xc7: {  	v15 =	vld.idx.msk [tilespmem:v54+s3+$0x0], $0xffff;
	v9 =	vcvt.f32.s32 v17;
	v17 =	vtrunc.f32 v59;
	v60 =	vsub.f32 $1.285000000e+02, v10  }
0xc8: {  	[tilespmem:v55+s16+$0x0] =	vst.idx.add.s32.msk $0xffff, v3;
	v61 =	vmul.f32 v13, v8;
	v13 =	vadd.f32 v18, v13;
	v18 =	vadd.f32 $9.999999740e-06, v57  }
0xc9: {  	[tilespmem:v14+s16+$0x0] =	vst.idx.add.s32.msk $0xffff, v3;
	v10 =	vcvt.f32.s32 v17;
	v62 =	vtrunc.f32 v60;
	v63 =	vsub.f32 $1.285000000e+02, v19  }
0xca: {  	[tilespmem:v16+s16+$0x0] =	vst.idx.add.s32.msk $0xffff, v3;
	v19 =	vadd.f32 $9.999999740e-06, v20;
	v16 =	vmul.f32 v13, v8;
	v17 =	vadd.f32 v18, v13  }
0xcb: {  	s0 =	simm.s32 $0x12;
	[tilespmem:v53+s16+$0x0] =	vst.idx.add.s32.msk $0xffff, v3;
	v13 =	vcvt.f32.s32 v62;
	v14 =	vtrunc.f32 v63;
	v18 =	vsub.f32 $1.285000000e+02, v61  }
.LBB2_6:
0xcc: {  	v20 =	vadd.s32 s0, v7;
	p0 =	slt.u32 s0, $0x75;
	v19 =	vadd.f32 v19, v17;
	v15 =	vadd.f32 $9.999999740e-06, v15;
	[tilespmem:v11+s16+$0x0] =	vst.idx.add.s32.msk $0xffff, v3  }
0xcd: {  	s1 =	sadd.s32 $0x1, s0;
	v16 =	vsub.f32 $1.285000000e+02, v16;
	v17 =	vmul.f32 v17, v8;
	v11 =	vtrunc.f32 v18;
	[tilespmem:v12+s16+$0x0] =	vst.idx.add.s32.msk $0xffff, v3  }
0xce: {  	v12 =	vadd.s32 s1, v7;
	v18 =	vmul.f32 v19, v8;
	v15 =	vadd.f32 v15, v19  }
0xcf: {  	s1 =	sadd.s32 $0x2, s0;
	v11 =	vcvt.f32.s32 v11;
	v16 =	vtrunc.f32 v16;
	v17 =	vsub.f32 $1.285000000e+02, v17  }
0xd0: {  	v19 =	vadd.s32 s1, v7;
	v18 =	vsub.f32 $1.285000000e+02, v18;
	v21 =	vmul.f32 v15, v8  }
0xd1: {  	s1 =	sadd.s32 $0x3, s0;
	v16 =	vcvt.f32.s32 v16;
	v11 =	vshll.u32 v11, $0x4;
	v17 =	vtrunc.f32 v17;
	v20 =	vld.idx.msk [tilespmem:v20+s3+$0x0], $0xffff  }
0xd2: {  	v22 =	vadd.s32 s1, v7;
	v18 =	vtrunc.f32 v18;
	v21 =	vsub.f32 $1.285000000e+02, v21  }
0xd3: {  	s1 =	sadd.s32 $0x4, s0;
	v16 =	vshll.u32 v16, $0x4;
	v17 =	vcvt.f32.s32 v17;
	v12 =	vld.idx.msk [tilespmem:v12+s3+$0x0], $0xffff;
	v18 =	vcvt.f32.s32 v18  }
0xd4: {  	v14 =	vcvt.f32.s32 v14;
	v23 =	vadd.s32 s1, v7;
	v21 =	vtrunc.f32 v21  }
0xd5: {  	s1 =	sadd.s32 $0x5, s0;
	v17 =	vshll.u32 v17, $0x4;
	v19 =	vld.idx.msk [tilespmem:v19+s3+$0x0], $0xffff;
	v18 =	vshll.u32 v18, $0x4;
	v21 =	vcvt.f32.s32 v21  }
0xd6: {  	v13 =	vshll.u32 v13, $0x4;
	v14 =	vshll.u32 v14, $0x4;
	v24 =	vadd.s32 s1, v7  }
0xd7: {  	v10 =	vshll.u32 v10, $0x4;
	s1 =	sadd.s32 $0x6, s0;
	v20 =	vadd.f32 $9.999999740e-06, v20;
	v22 =	vld.idx.msk [tilespmem:v22+s3+$0x0], $0xffff;
	v21 =	vshll.u32 v21, $0x4  }
0xd8: {  	v9 =	vshll.u32 v9, $0x4;
	v25 =	vadd.s32 s1, v7;
	v21 =	vsub.s32 v2, v21  }
0xd9: {  	s1 =	sadd.s32 $0x7, s0;
	v18 =	vsub.s32 v2, v18;
	v15 =	vadd.f32 v20, v15;
	v12 =	vadd.f32 $9.999999740e-06, v12;
	v20 =	vld.idx.msk [tilespmem:v23+s3+$0x0], $0xffff  }
0xda: {  	v16 =	vsub.s32 v2, v16;
	v17 =	vsub.s32 v2, v17;
	v23 =	vadd.s32 s1, v7  }
0xdb: {  	s1 =	sadd.s32 $0x8, s0;
	v26 =	vmul.f32 v15, v8;
	v12 =	vadd.f32 v12, v15;
	v15 =	vadd.f32 $9.999999740e-06, v19;
	v19 =	vld.idx.msk [tilespmem:v24+s3+$0x0], $0xffff  }
0xdc: {  	v14 =	vsub.s32 v2, v14;
	v27 =	vsub.s32 v2, v11;
	v24 =	vadd.s32 s1, v7  }
0xdd: {  	v28 =	vmul.f32 v12, v8;
	v12 =	vadd.f32 v15, v12;
	v15 =	vadd.f32 $9.999999740e-06, v22;
	v22 =	vld.idx.msk [tilespmem:v25+s3+$0x0], $0xffff  }
0xde: {  	v11 =	vsub.s32 v2, v10;
	v25 =	vsub.f32 $1.285000000e+02, v26;
	v26 =	vsub.s32 v2, v13;
	[tilespmem:v21+s16+$0x0] =	vst.idx.add.s32.msk $0xffff, v3  }
0xdf: {  	v10 =	vmul.f32 v12, v8;
	v13 =	vadd.f32 v15, v12;
	v15 =	vadd.f32 $9.999999740e-06, v20;
	v20 =	vld.idx.msk [tilespmem:v23+s3+$0x0], $0xffff  }
0xe0: {  	v12 =	vsub.s32 v2, v9;
	v21 =	vtrunc.f32 v25;
	v23 =	vsub.f32 $1.285000000e+02, v28;
	[tilespmem:v18+s16+$0x0] =	vst.idx.add.s32.msk $0xffff, v3  }
0xe1: {  	v18 =	vmul.f32 v13, v8;
	v13 =	vadd.f32 v15, v13;
	v19 =	vadd.f32 $9.999999740e-06, v19;
	v15 =	vld.idx.msk [tilespmem:v24+s3+$0x0], $0xffff  }
.Ltmp1:
0xe2: {  	v9 =	vcvt.f32.s32 v21;
	v21 =	vtrunc.f32 v23;
	v23 =	vsub.f32 $1.285000000e+02, v10;
	[tilespmem:v17+s16+$0x0] =	vst.idx.add.s32.msk $0xffff, v3;
	(pc) =	sbr.rel @p0 .LBB2_6-.Ltmp1, $4  }
0xe3: {  	v24 =	vmul.f32 v13, v8;
	v13 =	vadd.f32 v19, v13;
	v17 =	vadd.f32 $9.999999740e-06, v22;
	[tilespmem:v16+s16+$0x0] =	vst.idx.add.s32.msk $0xffff, v3  }
0xe4: {  	v10 =	vcvt.f32.s32 v21;
	v18 =	vsub.f32 $1.285000000e+02, v18;
	v21 =	vtrunc.f32 v23;
	[tilespmem:v27+s16+$0x0] =	vst.idx.add.s32.msk $0xffff, v3  }
0xe5: {  	v16 =	vmul.f32 v13, v8;
	v17 =	vadd.f32 v17, v13;
	v19 =	vadd.f32 $9.999999740e-06, v20;
	[tilespmem:v14+s16+$0x0] =	vst.idx.add.s32.msk $0xffff, v3  }
0xe6: {  	s0 =	sadd.s32 $0x9, s0;
	v13 =	vcvt.f32.s32 v21;
	v14 =	vtrunc.f32 v18;
	v18 =	vsub.f32 $1.285000000e+02, v24;
	[tilespmem:v26+s16+$0x0] =	vst.idx.add.s32.msk $0xffff, v3  }
0xe7: {  	v7 =	vadd.f32 v19, v17;
	v15 =	vadd.f32 $9.999999740e-06, v15;
	_ =	sdelay $0x1  }
0xe8: {  	v16 =	vsub.f32 $1.285000000e+02, v16;
	v15 =	vadd.f32 v15, v7;
	v7 =	vmul.f32 v7, v8  }
0xe9: {  	v14 =	vcvt.f32.s32 v14  }
0xea: {  	v13 =	vshll.u32 v13, $0x4;
	v16 =	vtrunc.f32 v16;
	v7 =	vsub.f32 $1.285000000e+02, v7  }
0xeb: {  	[tilespmem:v12+s16+$0x0] =	vst.idx.add.s32.msk $0xffff, v3;
	v12 =	vshll.u32 v14, $0x4;
	v16 =	vcvt.f32.s32 v16;
	v15 =	vmul.f32 v15, v8  }
0xec: {  	v13 =	vsub.s32 v2, v13;
	v8 =	vmul.f32 v17, v8;
	v7 =	vtrunc.f32 v7  }
0xed: {  	v17 =	vtrunc.f32 v18;
	v15 =	vsub.f32 $1.285000000e+02, v15;
	v7 =	vcvt.f32.s32 v7  }
0xee: {  	v12 =	vsub.s32 v2, v12;
	v17 =	vcvt.f32.s32 v17;
	v8 =	vsub.f32 $1.285000000e+02, v8  }
0xef: {  	v16 =	vshll.u32 v16, $0x4;
	v15 =	vtrunc.f32 v15;
	v7 =	vshll.u32 v7, $0x4  }
0xf0: {  	v8 =	vtrunc.f32 v8;
	v15 =	vcvt.f32.s32 v15;
	v7 =	vsub.s32 v2, v7  }
0xf1: {  	[tilespmem:v11+s16+$0x0] =	vst.idx.add.s32.msk $0xffff, v3;
	v16 =	vsub.s32 v2, v16;
	v11 =	vshll.u32 v17, $0x4;
	v8 =	vcvt.f32.s32 v8  }
0xf2: {  	v11 =	vsub.s32 v2, v11;
	v15 =	vshll.u32 v15, $0x4  }
0xf3: {  	[tilespmem:v13+s16+$0x0] =	vst.idx.add.s32.msk $0xffff, v3;
	v8 =	vshll.u32 v8, $0x4;
	v15 =	vsub.s32 v2, v15  }
0xf4: {  	v10 =	vshll.u32 v10, $0x4;
	[tilespmem:v12+s16+$0x0] =	vst.idx.add.s32.msk $0xffff, v3;
	v8 =	vsub.s32 v2, v8  }
0xf5: {  	[tilespmem:v7+s16+$0x0] =	vst.idx.add.s32.msk $0xffff, v3;
	v7 =	vshll.u32 v9, $0x4;
	v9 =	vsub.s32 v2, v10  }
0xf6: {  	[tilespmem:v16+s16+$0x0] =	vst.idx.add.s32.msk $0xffff, v3;
	v7 =	vsub.s32 v2, v7  }
0xf7: {  	v6 =	vshll.u32 v6, $0x7;
	s6 =	simm.s32 $0xE;
	s9 =	simm.s32 $0x5;
	s10 =	simm.s32 $0xC;
	[tilespmem:v11+s16+$0x0] =	vst.idx.add.s32.msk $0xffff, v3  }
0xf8: {  	v20 =	vmov s9;
	s9 =	simm.s32 $0xB;
	v52 =	vmov s10;
	v14 =	vmov s6;
	[tilespmem:v15+s16+$0x0] =	vst.idx.add.s32.msk $0xffff, v3  }
0xf9: {  	s22 =	simm.s32 $0x9;
	s6 =	simm.s32 $0x4;
	v48 =	vmov s9;
	v52 =	vand.u32 $0x7C, v52;
	v14 =	vand.u32 $0x7E, v14;
	[tilespmem:v8+s16+$0x0] =	vst.idx.add.s32.msk $0xffff, v3  }
0xfa: {  	v28 =	vmov s6;
	v14 =	vbroadcast v14, $0x0;
	v16 =	vmov s22;
	[tilespmem:v9+s16+$0x0] =	vst.idx.add.s32.msk $0xffff, v3  }
0xfb: {  	s0 =	simm.s32 $0x18D80;
	s2 =	simm.s32 $0x8;
	v59 =	vand.u32 $0x7B, v48;
	v52 =	vbroadcast v52, $0x0;
	v22 =	vand.u32 $0x79, v16;
	[tilespmem:v7+s16+$0x0] =	vst.idx.add.s32.msk $0xffff, v3  }
0xfc: {  	v14 =	vor.u32 v6, v14;
	v22 =	vbroadcast v22, $0x0;
	v10 =	vmov s2;
	v7 =	vld [tilespmem:s0+$0xFFFFFF80]  }
0xfd: {  	v17 =	vimm.f32 $3.906250000e-03;
	v11 =	vimm.s32 $0x0;
	s2 =	simm.s32 $0xD;
	v10 =	vand.u32 $0x78, v10;
	v8 =	vld [tilespmem:s0+$0xFFFFFF90]  }
0xfe: {  	s1 =	simm.s32 $0x7;
	s23 =	simm.s32 $0x6;
	v22 =	vor.u32 v6, v22;
	v16 =	vmov s2;
	v13 =	vbroadcast v10, $0x0;
	v12 =	vld [tilespmem:s0+$0xFFFFFFA0]  }
0xff: {  	v10 =	vmov s23;
	v16 =	vand.u32 $0x7D, v16;
	v9 =	vmov s1;
	v18 =	vld [tilespmem:s0+$0xFFFFFFB0]  }
0x100: {  	s7 =	simm.s32 $0xF;
	v26 =	vand.u32 $0x76, v10;
	v16 =	vbroadcast v16, $0x0;
	v9 =	vand.u32 $0x77, v9  }
0x101: {  	v15 =	vbroadcast v9, $0x0;
	v9 =	vld [tilespmem:s0+$0xFFFFFFC0];
	v11 =	vadd.s32 v11, v7;
	v7 =	vor.u32 s7, v6;
	s7 =	simm.s32 $0xA  }
0x102: {  	v19 =	vld [tilespmem:s0+$0xFFFFFFD0];
	v21 =	vshll.u32 v11, $0x5;
	v8 =	vadd.s32 v11, v8;
	v58 =	vmov s7  }
0x103: {  	v11 =	vld [tilespmem:s0+$0xFFFFFFE0];
	v23 =	vshll.u32 v8, $0x5;
	v8 =	vadd.s32 v8, v12;
	v33 =	vor.u32 v4, v21  }
0x104: {  	v12 =	vld [tilespmem:s0+$0xFFFFFFF0];
	v24 =	vshll.u32 v8, $0x5;
	v8 =	vadd.s32 v8, v18;
	v18 =	vand.u32 $0x75, v20  }
0x105: {  	v20 =	vld [tilespmem:s0+$0x0];
	v35 =	vor.u32 v0, v23;
	v23 =	vor.u32 v4, v23;
	v25 =	vshll.u32 v8, $0x5  }
0x106: {  	v10 =	vld [tilespmem:s0+$0x10];
	v8 =	vadd.s32 v8, v9;
	v37 =	vor.u32 v0, v24;
	v24 =	vor.u32 v4, v24  }
0x107: {  	v9 =	vshll.u32 v8, $0x5;
	v19 =	vadd.s32 v8, v19;
	v8 =	vbroadcast v18, $0x0;
	v18 =	vld [tilespmem:s0+$0x20]  }
0x108: {  	v29 =	vld [tilespmem:s0+$0x30];
	v27 =	vor.u32 v4, v9;
	v11 =	vadd.s32 v19, v11;
	v30 =	vor.u32 v0, v9  }
0x109: {  	v31 =	vld [tilespmem:s0+$0x40];
	v9 =	vand.u32 $0x74, v28;
	v19 =	vshll.u32 v19, $0x5;
	v12 =	vadd.s32 v11, v12  }
0x10a: {  	v8 =	vor.u32 v6, v8;
	v11 =	vshll.u32 v11, $0x5;
	v20 =	vadd.s32 v12, v20  }
0x10b: {  	v9 =	vbroadcast v9, $0x0;
	v47 =	vor.u32 v0, v19;
	v10 =	vadd.s32 v20, v10  }
0x10c: {  	v28 =	vld [tilespmem:s0+$0x50];
	v19 =	vor.u32 v4, v19;
	v34 =	vshll.u32 v10, $0x5;
	v10 =	vadd.s32 v10, v18  }
0x10d: {  	v32 =	vor.u32 v4, v11;
	v12 =	vshll.u32 v12, $0x5;
	v29 =	vadd.s32 v10, v29  }
0x10e: {  	v11 =	vor.u32 v0, v11;
	v36 =	vshll.u32 v10, $0x5;
	v10 =	vadd.s32 v29, v31;
	v31 =	vld [tilespmem:s0+$0x60]  }
0x10f: {  	v20 =	vshll.u32 v20, $0x5;
	v43 =	vor.u32 v0, v12;
	v12 =	vor.u32 v4, v12  }
0x110: {  	v44 =	vld [tilespmem:s0+$0x70];
	v18 =	vor.u32 v0, v21;
	v42 =	vor.u32 v0, v20;
	v20 =	vor.u32 v4, v20  }
0x111: {  	v33 =	vld.idx.msk [tilespmem:v33+s17+$0x0], $0xffff;
	v21 =	vor.u32 v0, v34;
	v38 =	vshll.u32 v10, $0x5;
	v10 =	vadd.s32 v10, v28  }
0x112: {  	v23 =	vld.idx.msk [tilespmem:v23+s17+$0x0], $0xffff;
	v34 =	vor.u32 v4, v34;
	v29 =	vshll.u32 v29, $0x5;
	v40 =	vshll.u32 v10, $0x5  }
0x113: {  	v35 =	vld.idx.msk [tilespmem:v35+s17+$0x0], $0xffff;
	v10 =	vadd.s32 v10, v31;
	v31 =	vmul.f32 v17, v5;
	v17 =	vadd.f32 $7.812500000e-03, v17  }
0x114: {  	v24 =	vld.idx.msk [tilespmem:v24+s17+$0x0], $0xffff;
	v45 =	vor.u32 v0, v36;
	v28 =	vor.u32 v4, v25;
	v25 =	vor.u32 v0, v25  }
0x115: {  	v46 =	vor.u32 v0, v29;
	v50 =	vld.idx.msk [tilespmem:v18+s17+$0x0], $0xffff;
	v18 =	vmul.f32 v17, v5;
	v17 =	vadd.f32 $7.812500000e-03, v17  }
0x116: {  	v27 =	vld.idx.msk [tilespmem:v27+s17+$0x0], $0xffff;
	v29 =	vor.u32 v4, v29;
	v39 =	vor.u32 v4, v38;
	v38 =	vor.u32 v0, v38  }
0x117: {  	v56 =	vld.idx.msk [tilespmem:v12+s17+$0x0], $0xffff;
	v12 =	vbroadcast v26, $0x0;
	v51 =	vmul.f32 v17, v5;
	v17 =	vadd.f32 $7.812500000e-03, v17  }
0x118: {  	v30 =	vld.idx.msk [tilespmem:v30+s17+$0x0], $0xffff;
	v26 =	vor.u32 v4, v36;
	v41 =	vor.u32 v4, v40;
	v40 =	vor.u32 v0, v40  }
0x119: {  	v28 =	vld.idx.msk [tilespmem:v28+s17+$0x0], $0xffff;
	v23 =	vmul.f32 v23, v18;
	v18 =	vmul.f32 v17, v5;
	v17 =	vadd.f32 $7.812500000e-03, v17  }
0x11a: {  	v32 =	vld.idx.msk [tilespmem:v32+s17+$0x0], $0xffff;
	v63 =	vor.u32 v6, v12;
	v49 =	vshll.u32 v10, $0x5;
	v10 =	vadd.s32 v10, v44  }
0x11b: {  	s21 =	simm.s32 $0x1;
	v44 =	vbroadcast v59, $0x0;
	v25 =	vld.idx.msk [tilespmem:v25+s17+$0x0], $0xffff;
	v55 =	vmul.f32 v17, v5;
	v17 =	vadd.f32 $7.812500000e-03, v17  }
0x11c: {  	v62 =	vld.idx.msk [tilespmem:v11+s17+$0x0], $0xffff;
	v59 =	vmov s21;
	v31 =	vmul.f32 v33, v31;
	v33 =	vand.u32 $0x7A, v58  }
0x11d: {  	v43 =	vld.idx.msk [tilespmem:v43+s17+$0x0], $0xffff;
	v60 =	vshll.u32 v10, $0x5;
	v27 =	vmul.f32 v27, v55;
	v61 =	vadd.f32 $7.812500000e-03, v17  }
0x11e: {  	s11 =	simm.s32 $0x2;
	v20 =	vld.idx.msk [tilespmem:v20+s17+$0x0], $0xffff;
	v53 =	vor.u32 v0, v49;
	v49 =	vor.u32 v4, v49;
	v18 =	vmul.f32 v28, v18  }
0x11f: {  	v42 =	vld.idx.msk [tilespmem:v42+s17+$0x0], $0xffff;
	v58 =	vmov s11;
	v11 =	vadd.f32 v27, v30;
	v27 =	vadd.f32 $7.812500000e-03, v61  }
0x120: {  	v34 =	vld.idx.msk [tilespmem:v34+s17+$0x0], $0xffff;
	v33 =	vbroadcast v33, $0x0;
	v54 =	vor.u32 v4, v60;
	v12 =	vadd.f32 v18, v25  }
0x121: {  	v21 =	vld.idx.msk [tilespmem:v21+s17+$0x0], $0xffff;
	v30 =	vmul.f32 v17, v5;
	v17 =	vmul.f32 v61, v5;
	v25 =	vadd.f32 $7.812500000e-03, v27  }
0x122: {  	v29 =	vld.idx.msk [tilespmem:v29+s17+$0x0], $0xffff;
	v48 =	vor.u32 v0, v60;
	v33 =	vor.u32 v6, v33;
	v18 =	vmul.f32 v27, v5  }
0x123: {  	v39 =	vld.idx.msk [tilespmem:v39+s17+$0x0], $0xffff;
	v17 =	vmul.f32 v32, v17;
	v27 =	vmul.f32 v25, v5;
	v25 =	vadd.f32 $7.812500000e-03, v25  }
0x124: {  	v24 =	vmul.f32 v24, v51;
	v55 =	vld.idx.msk [tilespmem:v19+s17+$0x0], $0xffff;
	v19 =	vor.u32 v6, v15;
	v18 =	vmul.f32 v56, v18  }
0x125: {  	s22 =	simm.s32 $0x0;
	v26 =	vld.idx.msk [tilespmem:v26+s17+$0x0], $0xffff;
	v36 =	vadd.f32 v17, v62;
	v17 =	vmul.f32 v25, v5;
	v25 =	vadd.f32 $7.812500000e-03, v25  }
0x126: {  	v40 =	vld.idx.msk [tilespmem:v40+s17+$0x0], $0xffff;
	v15 =	vor.u32 v6, v13;
	v61 =	vmov s22;
	v32 =	vand.u32 $0x72, v58  }
0x127: {  	v43 =	vadd.f32 v18, v43;
	v18 =	vld.idx.msk [tilespmem:v45+s17+$0x0], $0xffff;
	v56 =	vmul.f32 v20, v27;
	v60 =	vadd.f32 $7.812500000e-03, v25  }
0x128: {  	v45 =	vand.u32 $0x71, v59;
	[tilespmem:v63+s18+$0x0] =	vst.idx.msk $0xffff, v36;
	v34 =	vmul.f32 v34, v17;
	v20 =	vmul.f32 v25, v5  }
0x129: {  	v28 =	vld.idx.msk [tilespmem:v37+s17+$0x0], $0xffff;
	v25 =	vbroadcast v32, $0x0;
	[tilespmem:v19+s18+$0x0] =	vst.idx.msk $0xffff, v43;
	v19 =	vadd.f32 v31, v50;
	v27 =	vadd.f32 $7.812500000e-03, v60  }
0x12a: {  	v62 =	vld.idx.msk [tilespmem:v41+s17+$0x0], $0xffff;
	v21 =	vadd.f32 v34, v21;
	v20 =	vmul.f32 v26, v20;
	v34 =	vor.u32 v6, v44  }
0x12b: {  	v17 =	vld.idx.msk [tilespmem:v38+s17+$0x0], $0xffff;
	v41 =	vmul.f32 v60, v5;
	v38 =	vmul.f32 v27, v5;
	v27 =	vadd.f32 $7.812500000e-03, v27  }
0x12c: {  	v26 =	vld.idx.msk [tilespmem:v46+s17+$0x0], $0xffff;
	v31 =	vor.u32 v6, v25;
	v60 =	vand.u32 $0x70, v61;
	v20 =	vadd.f32 v20, v18  }
0x12d: {  	v18 =	vor.u32 v6, v52;
	[tilespmem:v22+s18+$0x0] =	vst.idx.msk $0xffff, v21;
	v63 =	vmul.f32 v27, v5;
	v27 =	vadd.f32 $7.812500000e-03, v27  }
0x12e: {  	v52 =	vld.idx.msk [tilespmem:v54+s17+$0x0], $0xffff;
	v21 =	vadd.f32 v23, v35;
	[tilespmem:v33+s18+$0x0] =	vst.idx.msk $0xffff, v20;
	v20 =	vadd.f32 v24, v28  }
0x12f: {  	v57 =	vld.idx.msk [tilespmem:v49+s17+$0x0], $0xffff;
	v24 =	vmul.f32 v29, v41;
	v23 =	vmul.f32 v39, v38;
	v58 =	vadd.f32 $7.812500000e-03, v27  }
0x130: {  	s23 =	simm.s32 $0x3;
	v59 =	vld.idx.msk [tilespmem:v48+s17+$0x0], $0xffff;
	v61 =	vor.u32 v6, v16;
	v29 =	vbroadcast v45, $0x0;
	v25 =	vmul.f32 v62, v63  }
0x131: {  	v54 =	vmov s23;
	v22 =	vld.idx.msk [tilespmem:v53+s17+$0x0], $0xffff;
	v27 =	vmul.f32 v27, v5;
	v62 =	vmul.f32 v58, v5  }
0x132: {  	[tilespmem:v31+s18+$0x0] =	vst.idx.msk $0xffff, v20;
	v31 =	vadd.f32 v24, v26;
	v63 =	vand.u32 $0x73, v54;
	v24 =	vmul.f32 v55, v30  }
0x133: {  	v20 =	vor.u32 v6, v29;
	v40 =	vadd.f32 v25, v40;
	v28 =	vmul.f32 v52, v62  }
0x134: {  	v13 =	vld.idx.msk [tilespmem:v47+s17+$0x0], $0xffff;
	v29 =	vadd.f32 v56, v42;
	v16 =	vadd.f32 $7.812500000e-03, v58;
	v25 =	vbroadcast v60, $0x0;
	[tilespmem:v34+s18+$0x0] =	vst.idx.msk $0xffff, v31  }
0x135: {  	s30 =	simm.s32 $0x10;
	s31 =	simm.s32 $0x18E80;
	v27 =	vmul.f32 v57, v27;
	[tilespmem:v61+s18+$0x0] =	vst.idx.msk $0xffff, v40;
	v26 =	vadd.f32 v28, v59;
	v28 =	vbroadcast v63, $0x0  }
.LBB2_8:
0x136: {  	s6 =	sadd.s32 $0x7, s30  }
0x137: {  	v30 =	vld [tilespmem:s31+$0xFFFFFF80];
	s7 =	sadd.s32 $0x8, s30;
	s9 =	sadd.s32 $0x9, s30;
	v25 =	vor.u32 v6, v25;
	v9 =	vor.u32 v6, v9;
	v22 =	vadd.f32 v27, v22;
	s1 =	smov.u32 s30  }
0x138: {  	s0 =	sadd.s32 $0x3, s30;
	s2 =	sadd.s32 $0x4, s30;
	v27 =	vld [tilespmem:s31+$0xFFFFFF90];
	v31 =	vmov s6;
	v32 =	vmov s7;
	s7 =	sadd.s32 $0xF, s30;
	v28 =	vor.u32 v6, v28;
	[tilespmem:v15+s18+$0x0] =	vst.idx.msk $0xffff, v29  }
0x139: {  	s10 =	sadd.s32 $0x6, s30;
	s11 =	sadd.s32 $0xE, s30;
	v23 =	vadd.f32 v23, v17;
	s6 =	sadd.s32 $0x2, s30;
	v29 =	vld [tilespmem:s31+$0xFFFFFFA0];
	v15 =	vand.u32 $0x77, v31;
	v31 =	vand.u32 $0x78, v32;
	[tilespmem:v14+s18+$0x0] =	vst.idx.msk $0xffff, v22  }
0x13a: {  	p0 =	slt.u32 s30, $0x70;
	v13 =	vadd.f32 v24, v13;
	s21 =	sadd.s32 $0x5, s1;
	s30 =	sadd.s32 $0x10, s30;
	v32 =	vld [tilespmem:s31+$0xFFFFFFB0];
	v17 =	vbroadcast v15, $0x0;
	v15 =	vbroadcast v31, $0x0;
	[tilespmem:v7+s18+$0x0] =	vst.idx.msk $0xffff, v26  }
0x13b: {  	v22 =	vmov s9;
	s9 =	sadd.s32 $0xD, s1;
	v14 =	vmov s11;
	v26 =	vmov s10;
	v24 =	vld [tilespmem:s31+$0xFFFFFFC0]  }
0x13c: {  	v31 =	vmov s21;
	v7 =	vor.u32 s7, v6;
	v10 =	vadd.s32 v10, v30;
	v30 =	vld [tilespmem:s31+$0xFFFFFFD0];
	[tilespmem:v18+s18+$0x0] =	vst.idx.msk $0xffff, v23  }
0x13d: {  	v22 =	vand.u32 $0x79, v22;
	v23 =	vshll.u32 v10, $0x5;
	v10 =	vadd.s32 v10, v27;
	v27 =	vld [tilespmem:s31+$0xFFFFFFE0];
	[tilespmem:v8+s18+$0x0] =	vst.idx.msk $0xffff, v13  }
0x13e: {  	v18 =	vmov s9;
	v13 =	vshll.u32 v10, $0x5;
	v8 =	vadd.s32 v10, v29;
	v10 =	vld [tilespmem:s31+$0xFFFFFFF0];
	[tilespmem:v20+s18+$0x0] =	vst.idx.msk $0xffff, v21  }
0x13f: {  	v20 =	vand.u32 $0x75, v31;
	v33 =	vshll.u32 v8, $0x5;
	v8 =	vadd.s32 v8, v32;
	v21 =	vld [tilespmem:s31+$0x0];
	[tilespmem:v9+s18+$0x0] =	vst.idx.msk $0xffff, v11  }
0x140: {  	v11 =	vand.u32 $0x76, v26;
	v31 =	vshll.u32 v8, $0x5;
	v8 =	vadd.s32 v8, v24;
	v24 =	vld [tilespmem:s31+$0x10];
	[tilespmem:v28+s18+$0x0] =	vst.idx.msk $0xffff, v12  }
0x141: {  	v9 =	vshll.u32 v8, $0x5;
	v12 =	vadd.s32 v8, v30;
	v8 =	vbroadcast v20, $0x0;
	v20 =	vld [tilespmem:s31+$0x20];
	[tilespmem:v25+s18+$0x0] =	vst.idx.msk $0xffff, v19  }
0x142: {  	v25 =	vmov s2;
	v19 =	vor.u32 v4, v9;
	v26 =	vadd.s32 v12, v27;
	v27 =	vld [tilespmem:s31+$0x30]  }
0x143: {  	v30 =	vor.u32 v0, v9;
	v8 =	vor.u32 v6, v8;
	v10 =	vadd.s32 v26, v10;
	v28 =	vld [tilespmem:s31+$0x40]  }
0x144: {  	v9 =	vand.u32 $0x74, v25;
	v26 =	vshll.u32 v26, $0x5;
	v21 =	vadd.s32 v10, v21;
	v25 =	vld [tilespmem:s31+$0x50]  }
0x145: {  	v9 =	vbroadcast v9, $0x0;
	v32 =	vor.u32 v4, v26;
	v24 =	vadd.s32 v21, v24;
	v34 =	vld [tilespmem:s31+$0x60]  }
0x146: {  	v35 =	vor.u32 v4, v23;
	v36 =	vshll.u32 v24, $0x5;
	v20 =	vadd.s32 v24, v20  }
0x147: {  	v23 =	vor.u32 v0, v23;
	v29 =	vor.u32 v0, v36;
	v24 =	vor.u32 v4, v36;
	v36 =	vld [tilespmem:s31+$0x70]  }
0x148: {  	v37 =	vor.u32 v0, v13;
	v21 =	vshll.u32 v21, $0x5;
	v38 =	vadd.s32 v20, v27  }
0x149: {  	v13 =	vor.u32 v4, v13;
	v39 =	vshll.u32 v20, $0x5;
	v20 =	vadd.s32 v38, v28  }
0x14a: {  	v28 =	vor.u32 v0, v33;
	v40 =	vshll.u32 v20, $0x5;
	v20 =	vadd.s32 v20, v25  }
0x14b: {  	v41 =	vor.u32 v4, v31;
	v42 =	vor.u32 v4, v40;
	v25 =	vshll.u32 v20, $0x5;
	v35 =	vld.idx.msk [tilespmem:v35+s17+$0x0], $0xffff  }
0x14c: {  	v12 =	vshll.u32 v12, $0x5;
	v10 =	vshll.u32 v10, $0x5;
	v27 =	vor.u32 v4, v25  }
0x14d: {  	v31 =	vor.u32 v0, v31;
	v44 =	vor.u32 v0, v21;
	v25 =	vor.u32 v0, v25;
	v43 =	vld.idx.msk [tilespmem:v19+s17+$0x0], $0xffff  }
0x14e: {  	v45 =	vor.u32 v0, v26;
	v46 =	vor.u32 v0, v10;
	v40 =	vor.u32 v0, v40;
	v19 =	vld.idx.msk [tilespmem:v23+s17+$0x0], $0xffff  }
0x14f: {  	v47 =	vor.u32 v4, v21;
	v38 =	vshll.u32 v38, $0x5;
	v34 =	vadd.s32 v20, v34;
	v13 =	vld.idx.msk [tilespmem:v13+s17+$0x0], $0xffff  }
0x150: {  	v48 =	vor.u32 v0, v39;
	v49 =	vor.u32 v0, v38;
	v23 =	vmul.f32 v16, v5;
	v20 =	vld.idx.msk [tilespmem:v42+s17+$0x0], $0xffff  }
0x151: {  	v42 =	vor.u32 v4, v10;
	v21 =	vld.idx.msk [tilespmem:v37+s17+$0x0], $0xffff;
	v37 =	vor.u32 v0, v12;
	v12 =	vor.u32 v4, v12  }
0x152: {  	s7 =	sadd.s32 $0xB, s1;
	s2 =	sadd.s32 $0xA, s1;
	v26 =	vmul.f32 v35, v23;
	v10 =	vadd.f32 $7.812500000e-03, v16;
	v16 =	vor.u32 v4, v33;
	v33 =	vld.idx.msk [tilespmem:v41+s17+$0x0], $0xffff  }
0x153: {  	v50 =	vshll.u32 v34, $0x5;
	v41 =	vmov s7;
	v35 =	vld.idx.msk [tilespmem:v24+s17+$0x0], $0xffff;
	v24 =	vmov s2  }
0x154: {  	v51 =	vmul.f32 v10, v5;
	v52 =	vadd.f32 $7.812500000e-03, v10;
	v10 =	vadd.s32 v34, v36;
	v23 =	vld.idx.msk [tilespmem:v28+s17+$0x0], $0xffff  }
0x155: {  	v34 =	vshll.u32 v10, $0x5;
	v28 =	vand.u32 $0x7A, v24;
	v24 =	vand.u32 $0x7B, v41;
	v31 =	vld.idx.msk [tilespmem:v31+s17+$0x0], $0xffff  }
0x156: {  	s2 =	sadd.s32 $0xC, s1;
	v36 =	vmul.f32 v52, v5;
	v41 =	vadd.f32 $7.812500000e-03, v52;
	v52 =	vbroadcast v24, $0x0  }
0x157: {  	v54 =	vor.u32 v0, v50;
	v53 =	vmov s2;
	v24 =	vld.idx.msk [tilespmem:v12+s17+$0x0], $0xffff;
	v12 =	vbroadcast v28, $0x0  }
0x158: {  	v28 =	vmul.f32 v13, v51;
	v51 =	vmul.f32 v41, v5;
	v41 =	vadd.f32 $7.812500000e-03, v41;
	v30 =	vld.idx.msk [tilespmem:v30+s17+$0x0], $0xffff  }
0x159: {  	v13 =	vld.idx.msk [tilespmem:v37+s17+$0x0], $0xffff;
	v37 =	vor.u32 v6, v12;
	v12 =	vand.u32 $0x7C, v53;
	v53 =	vor.u32 v4, v34  }
0x15a: {  	v38 =	vor.u32 v4, v38;
	v55 =	vmul.f32 v41, v5;
	v41 =	vadd.f32 $7.812500000e-03, v41;
	v16 =	vld.idx.msk [tilespmem:v16+s17+$0x0], $0xffff  }
0x15b: {  	v22 =	vbroadcast v22, $0x0;
	v50 =	vor.u32 v4, v50;
	v56 =	vbroadcast v12, $0x0;
	v32 =	vld.idx.msk [tilespmem:v32+s17+$0x0], $0xffff  }
0x15c: {  	v34 =	vor.u32 v0, v34;
	v12 =	vmul.f32 v43, v55;
	v43 =	vadd.f32 $7.812500000e-03, v41;
	v42 =	vld.idx.msk [tilespmem:v42+s17+$0x0], $0xffff  }
0x15d: {  	v22 =	vor.u32 v6, v22;
	v39 =	vor.u32 v4, v39;
	v55 =	vbroadcast v11, $0x0;
	v45 =	vld.idx.msk [tilespmem:v45+s17+$0x0], $0xffff  }
0x15e: {  	v33 =	vmul.f32 v33, v51;
	v11 =	vadd.f32 v12, v30;
	v30 =	vadd.f32 $7.812500000e-03, v43;
	v47 =	vld.idx.msk [tilespmem:v47+s17+$0x0], $0xffff  }
0x15f: {  	v41 =	vmul.f32 v41, v5;
	v43 =	vmul.f32 v43, v5;
	v51 =	vor.u32 v6, v55;
	v46 =	vld.idx.msk [tilespmem:v46+s17+$0x0], $0xffff  }
0x160: {  	v12 =	vadd.f32 v33, v31;
	v31 =	vmul.f32 v30, v5;
	v30 =	vadd.f32 $7.812500000e-03, v30;
	v33 =	vld.idx.msk [tilespmem:v44+s17+$0x0], $0xffff  }
0x161: {  	v36 =	vmul.f32 v16, v36;
	v16 =	vmul.f32 v32, v43;
	v32 =	vor.u32 v6, v17;
	v29 =	vld.idx.msk [tilespmem:v29+s17+$0x0], $0xffff  }
0x162: {  	v31 =	vmul.f32 v42, v31;
	v42 =	vmul.f32 v30, v5;
	v17 =	vadd.f32 $7.812500000e-03, v30  }
0x163: {  	v15 =	vor.u32 v6, v15;
	v30 =	vmov s6;
	v16 =	vadd.f32 v16, v45;
	v39 =	vld.idx.msk [tilespmem:v39+s17+$0x0], $0xffff  }
0x164: {  	s2 =	sadd.s32 $0x1, s1;
	v30 =	vand.u32 $0x72, v30;
	v43 =	vmul.f32 v17, v5;
	v44 =	vadd.f32 $7.812500000e-03, v17;
	v17 =	vld.idx.msk [tilespmem:v40+s17+$0x0], $0xffff  }
0x165: {  	v18 =	vand.u32 $0x7D, v18;
	v40 =	vmov s2;
	[tilespmem:v51+s18+$0x0] =	vst.idx.msk $0xffff, v16;
	v16 =	vadd.f32 v31, v46;
	v31 =	vld.idx.msk [tilespmem:v48+s17+$0x0], $0xffff  }
0x166: {  	v40 =	vand.u32 $0x71, v40;
	v35 =	vmul.f32 v35, v43;
	v43 =	vadd.f32 $7.812500000e-03, v44;
	v27 =	vld.idx.msk [tilespmem:v27+s17+$0x0], $0xffff  }
0x167: {  	v45 =	vmov s1;
	[tilespmem:v32+s18+$0x0] =	vst.idx.msk $0xffff, v16;
	v32 =	vmul.f32 v47, v42;
	v16 =	vmul.f32 v44, v5  }
0x168: {  	v30 =	vbroadcast v30, $0x0;
	v29 =	vadd.f32 v35, v29;
	v42 =	vadd.f32 $7.812500000e-03, v43;
	v35 =	vld.idx.msk [tilespmem:v49+s17+$0x0], $0xffff  }
0x169: {  	v14 =	vand.u32 $0x7E, v14;
	v16 =	vmul.f32 v39, v16;
	v39 =	vor.u32 v6, v52;
	v25 =	vld.idx.msk [tilespmem:v25+s17+$0x0], $0xffff  }
0x16a: {  	[tilespmem:v22+s18+$0x0] =	vst.idx.msk $0xffff, v29;
	v29 =	vld.idx.msk [tilespmem:v38+s17+$0x0], $0xffff;
	v38 =	vmul.f32 v42, v5;
	v22 =	vadd.f32 $7.812500000e-03, v42;
	v42 =	vbroadcast v18, $0x0  }
0x16b: {  	v18 =	vor.u32 v6, v56;
	v16 =	vadd.f32 v16, v31;
	v31 =	vmul.f32 v43, v5;
	v43 =	vld.idx.msk [tilespmem:v50+s17+$0x0], $0xffff  }
0x16c: {  	v14 =	vbroadcast v14, $0x0;
	v44 =	vmul.f32 v22, v5;
	v46 =	vadd.f32 $7.812500000e-03, v22;
	v47 =	vld.idx.msk [tilespmem:v53+s17+$0x0], $0xffff  }
0x16d: {  	v19 =	vadd.f32 v26, v19;
	v26 =	vor.u32 v6, v30;
	v30 =	vmov s0;
	[tilespmem:v37+s18+$0x0] =	vst.idx.msk $0xffff, v16;
	v22 =	vld.idx.msk [tilespmem:v54+s17+$0x0], $0xffff  }
0x16e: {  	v14 =	vor.u32 v6, v14;
	v16 =	vmul.f32 v27, v44;
	v27 =	vadd.f32 $7.812500000e-03, v46;
	v34 =	vld.idx.msk [tilespmem:v34+s17+$0x0], $0xffff  }
0x16f: {  	v42 =	vor.u32 v6, v42;
	v37 =	vand.u32 $0x70, v45;
	v44 =	vmul.f32 v46, v5  }
0x170: {  	v45 =	vadd.f32 v16, v25;
	v46 =	vmul.f32 v27, v5;
	v16 =	vadd.f32 $7.812500000e-03, v27  }
.Ltmp2:
0x171: {  	v29 =	vmul.f32 v29, v31;
	v25 =	vbroadcast v37, $0x0;
	v27 =	vadd.f32 v36, v23;
	(pc) =	sbr.rel @p0 .LBB2_8-.Ltmp2, $4  }
0x172: {  	v21 =	vadd.f32 v28, v21;
	v23 =	vmul.f32 v20, v38;
	v20 =	vmul.f32 v47, v46  }
0x173: {  	v28 =	vbroadcast v40, $0x0;
	v31 =	vadd.f32 v29, v35;
	[tilespmem:v26+s18+$0x0] =	vst.idx.msk $0xffff, v27;
	v27 =	vmul.f32 v43, v44  }
0x174: {  	v24 =	vmul.f32 v24, v41;
	v29 =	vand.u32 $0x73, v30;
	[tilespmem:v42+s18+$0x0] =	vst.idx.msk $0xffff, v45;
	v26 =	vadd.f32 v20, v34  }
0x175: {  	s31 =	sadd.s32 $0x100, s31;
	v20 =	vor.u32 v6, v28;
	v28 =	vbroadcast v29, $0x0;
	v29 =	vadd.f32 v32, v33;
	[tilespmem:v39+s18+$0x0] =	vst.idx.msk $0xffff, v31  }
0x176: {  	_ =	sdelay $0x3  }
0x177: {  	v5 =	vadd.f32 v27, v22;
	[tilespmem:v7+s18+$0x0] =	vst.idx.msk $0xffff, v26  }
0x178: {  	v9 =	vor.u32 v6, v9;
	[tilespmem:v20+s18+$0x0] =	vst.idx.msk $0xffff, v21  }
0x179: {  	v10 =	vadd.f32 v23, v17;
	s29 =	sadd.s32 $0x1, s29;
	[tilespmem:v14+s18+$0x0] =	vst.idx.msk $0xffff, v5;
	v5 =	vor.u32 v6, v28  }
0x17a: {  	v13 =	vadd.f32 v24, v13;
	[tilespmem:v15+s18+$0x0] =	vst.idx.msk $0xffff, v29;
	p0 =	sne.s32 s29, $0x8;
	v6 =	vor.u32 v6, v25  }
.Ltmp3:
0x17b: {  	[tilespmem:v18+s18+$0x0] =	vst.idx.msk $0xffff, v10;
	(pc) =	sbr.rel @p0 .LBB2_3-.Ltmp3, $4  }
0x17c: {  	[tilespmem:v8+s18+$0x0] =	vst.idx.msk $0xffff, v13  }
0x17d: {  	[tilespmem:v9+s18+$0x0] =	vst.idx.msk $0xffff, v11  }
0x17e: {  	[tilespmem:v5+s18+$0x0] =	vst.idx.msk $0xffff, v12  }
0x17f: {  	[tilespmem:v6+s18+$0x0] =	vst.idx.msk $0xffff, v19  }
0x180: {  	s0 =	rddreg [dreg:$0x5]  }
0x181: {  	s0 =	sadd.s32 s0, s26  }
0x182: {  	s0 =	sshll.u32 s0, $0xB  }
0x183: {  	s0 =	sadd.s32 s8, s0  }
0x184: {  	[hbm4b:s0+s3] =	stream.linear.scatter [tilespmem:s18], [sflag:$0x3], $0x4000, $0x38;
	[tilespmem:$0x19580] =	vst v63  }
0x185: {  	_ =	swait.ge [sflag:s19], $0x3F00  }
0x186: {  	[sflag:s19] =	ssyncset.done $0x0  }
0x187: {  	[sflag:s19] =	ssyncadd.s32 $0xFFFFC100  }
0x188: {  	_ =	swait.ge [sflag:s19], $0x3F80  }
0x189: {  	p0 =	seq.s32 s24, $0x7;
	s0 =	rddreg [dreg:$0x7]  }
0x18a: {  	s0 =	sadd.s32 @!p0 s26, s0  }
0x18b: {  	s1 =	smul.u32 @!p0 $0x7E0, s0  }
0x18c: {  	s2 =	simm.s32 @!p0 $0x0;
	[sflag:s19] =	ssyncset.done $0x0  }
0x18d: {  	[sflag:s19] =	ssyncadd.s32 $0xFFFFC080;
	s0 =	smul.u32 @!p0 $0x7F0, s0;
	s1 =	sadd.s32 @!p0 s5, s1  }
0x18e: {  	[tilespmem:s2], [sflag:$0x1] =	stream.linear.gather @!p0 [hbm4b:s1+s2], $0x3F00, $0x38;
	[tilespmem:$0x19580] =	vst v63  }
0x18f: {  	p1 =	seq.s32 @!p0 s24, $0x0;
	s0 =	sadd.s32 @!p0 s4, s0;
	s1 =	simm.s32 @!p0 $0x3F00  }
0x190: {  	[tilespmem:s1], [sflag:$0x1] =	stream.linear.gather @!p0 [hbm4b:s0+s2], $0x3F80, $0x38;
	[tilespmem:$0x19580] =	vst v63  }
0x191: {  	p0 =	por p0, !p1  }
0x192: {  	s0 =	simm.s32 @p0 $0x4  }
0x193: {  	_ =	swait.ge @p0 [sflag:s0], $0x4000  }
0x194: {  	s31 =	smov.u32 s8;
	[sflag:s0] =	ssyncset.done @p0 $0x0  }
0x195: {  	s28 =	simm.s32 $0x0;
	s26 =	simm.s32 $0x0;
	[sflag:s0] =	ssyncadd.s32 @p0 $0xFFFFC000  }
.LBB2_11:
0x196: {  	s0 =	sshll.u32 s28, $0x4  }
0x197: {  	v6 =	vor.u32 s0, v0  }
0x198: {  	v7 =	vmul.u32 $0x7E, v6  }
0x199: {  	s1 =	simm.s32 $0x4  }
0x19a: {  	s2 =	simm.s32 $0x1;
	v5 =	vadd.s32 s1, v7  }
0x19b: {  	s23 =	simm.s32 $0x5;
	v9 =	vadd.s32 s2, v7  }
0x19c: {  	s6 =	simm.s32 $0x8;
	v10 =	vadd.s32 s23, v7  }
0x19d: {  	s7 =	simm.s32 $0x2;
	v11 =	vadd.s32 s6, v7  }
0x19e: {  	s9 =	simm.s32 $0x6;
	v12 =	vadd.s32 s7, v7  }
0x19f: {  	s10 =	simm.s32 $0x3;
	v8 =	vmul.u32 $0x7F, v6;
	v13 =	vadd.s32 s9, v7;
	v5 =	vld.idx.msk [tilespmem:v5+s14+$0x0], $0xffff  }
0x1a0: {  	v14 =	vadd.s32 s10, v7;
	v15 =	vld.idx.msk [tilespmem:v9+s14+$0x0], $0xffff  }
0x1a1: {  	v16 =	vadd.s32 s9, v8;
	v10 =	vld.idx.msk [tilespmem:v10+s14+$0x0], $0xffff  }
0x1a2: {  	s0 =	simm.s32 $0x9;
	v20 =	vadd.s32 s7, v8;
	v11 =	vld.idx.msk [tilespmem:v11+s14+$0x0], $0xffff  }
0x1a3: {  	v17 =	vadd.s32 s0, v8;
	v12 =	vld.idx.msk [tilespmem:v12+s14+$0x0], $0xffff  }
0x1a4: {  	v18 =	vadd.s32 s6, v8;
	v13 =	vld.idx.msk [tilespmem:v13+s14+$0x0], $0xffff  }
0x1a5: {  	v22 =	vadd.s32 s26, v7;
	v14 =	vld.idx.msk [tilespmem:v14+s14+$0x0], $0xffff  }
0x1a6: {  	v25 =	vadd.s32 s1, v8;
	s7 =	simm.s32 $0xB;
	v19 =	vld.idx.msk [tilespmem:v16+s15+$0x0], $0xffff  }
0x1a7: {  	v29 =	vadd.s32 s7, v7;
	v31 =	vld.idx.msk [tilespmem:v20+s15+$0x0], $0xffff;
	v21 =	vadd.f32 $9.999999740e-06, v5  }
0x1a8: {  	v23 =	vadd.s32 s10, v8;
	s6 =	simm.s32 $0x7;
	v24 =	vadd.f32 $9.999999740e-06, v10;
	v16 =	vadd.f32 $9.999999740e-06, v11;
	v5 =	vld.idx.msk [tilespmem:v17+s15+$0x0], $0xffff  }
0x1a9: {  	v17 =	vadd.f32 $9.999999740e-06, v12;
	v12 =	vadd.s32 s6, v7;
	v10 =	vld.idx.msk [tilespmem:v18+s15+$0x0], $0xffff;
	(erf) = vrcp.f32 v21  }
0x1aa: {  	v27 =	vimm.f32 $0.0e+00;
	s8 =	simm.s32 $0xD;
	s21 =	simm.s32 $0x11;
	v9 =	vadd.s32 s23, v8;
	v18 =	vld.idx.msk [tilespmem:v22+s14+$0x0], $0xffff;
	(erf) = vrcp.f32 v24  }
0x1ab: {  	v30 =	vadd.s32 s8, v7;
	v58 =	vadd.s32 s21, v7;
	v25 =	vld.idx.msk [tilespmem:v25+s15+$0x0], $0xffff;
	(erf) = vrcp.f32 v16  }
0x1ac: {  	s22 =	simm.s32 $0xC;
	v29 =	vld.idx.msk [tilespmem:v29+s14+$0x0], $0xffff;
	v20 =	vadd.f32 $9.999999740e-06, v14;
	v14 =	vadd.s32 s2, v8;
	(erf) = vrcp.f32 v17  }
0x1ad: {  	s9 =	simm.s32 $0xE;
	s10 =	simm.s32 $0xF;
	v54 =	vadd.s32 s21, v8;
	v56 =	vadd.s32 s22, v8;
	v11 =	vld.idx.msk [tilespmem:v23+s15+$0x0], $0xffff;
	v22 =	vadd.s32 s6, v8  }
0x1ae: {  	v32 =	vadd.s32 s9, v7;
	v33 =	vadd.s32 s7, v8;
	v34 =	vadd.s32 s10, v7;
	v23 =	vld.idx.msk [tilespmem:v12+s14+$0x0], $0xffff  }
0x1af: {  	v49 =	vadd.s32 s9, v8;
	v9 =	vld.idx.msk [tilespmem:v9+s15+$0x0], $0xffff;
	v18 =	vadd.f32 $9.999999740e-06, v18;
	(erf) = vrcp.f32 v20  }
0x1b0: {  	v52 =	vadd.s32 s10, v8;
	s23 =	simm.s32 $0x12;
	v61 =	vld.idx.msk [tilespmem:v58+s14+$0x0], $0xffff;
	v58 =	vadd.s32 s0, v7;
	v39 =	vadd.f32 $9.999999740e-06, v13  }
0x1b1: {  	v46 =	vadd.s32 s23, v8;
	s6 =	simm.s32 $0xA;
	v13 =	vadd.f32 $9.999999740e-06, v15;
	v40 =	vld.idx.msk [tilespmem:v14+s15+$0x0], $0xffff;
	v42 =	vadd.f32 v18, v27  }
0x1b2: {  	v28 =	vadd.s32 s6, v7;
	v29 =	vadd.f32 $9.999999740e-06, v29;
	v43 =	vld.idx.msk [tilespmem:v22+s15+$0x0], $0xffff;
	v35 =	vpop (erf);
	(erf) = vrcp.f32 v18  }
0x1b3: {  	v22 =	vld.idx.msk [tilespmem:v30+s14+$0x0], $0xffff;
	v30 =	vadd.f32 v13, v42;
	v44 =	vadd.f32 $9.999999740e-06, v23;
	v38 =	vpop (erf);
	(erf) = vrcp.f32 v39  }
0x1b4: {  	v26 =	vsub.f32 v19, v9;
	v37 =	vsub.f32 v11, v31;
	v41 =	vpop (erf);
	(erf) = vrcp.f32 v13  }
0x1b5: {  	v36 =	vsub.f32 v5, v10;
	v48 =	vadd.f32 v17, v30;
	v13 =	vld.idx.msk [tilespmem:v8+s15+$0x0], $0xffff;
	v18 =	vpop (erf);
	(erf) = vrcp.f32 v44  }
0x1b6: {  	v15 =	vsub.f32 v25, v11;
	v45 =	vmul.f32 v18, v37;
	v18 =	vsub.f32 v9, v25  }
0x1b7: {  	v32 =	vld.idx.msk [tilespmem:v32+s14+$0x0], $0xffff;
	v12 =	vadd.s32 s8, v8;
	v47 =	vsub.f32 v31, v40;
	v20 =	vadd.f32 v20, v48  }
0x1b8: {  	v17 =	vadd.f32 $9.999999740e-06, v22;
	v62 =	vmul.f32 v38, v26;
	v23 =	vpop (erf);
	v35 =	vmul.f32 v35, v18  }
0x1b9: {  	v60 =	vadd.f32 v21, v20;
	v50 =	vmul.f32 v23, v15;
	v15 =	vld.idx.msk [tilespmem:v28+s14+$0x0], $0xffff;
	v28 =	vadd.s32 s22, v7  }
0x1ba: {  	s29 =	simm.s32 $0x17D90;
	v36 =	vmul.f32 v41, v36;
	v59 =	vsub.f32 v40, v13;
	v20 =	vmul.f32 v35, v20  }
0x1bb: {  	v51 =	vsub.f32 v43, v19;
	(erf) = vrcp.f32 v17;
	[tilespmem:s29+$0x20] =	vst v62;
	v53 =	vadd.f32 v24, v60;
	v21 =	vpop (erf)  }
0x1bc: {  	v22 =	vld.idx.msk [tilespmem:v34+s14+$0x0], $0xffff;
	[tilespmem:s29+$0x80] =	vst v36;
	v18 =	vadd.f32 $9.999999740e-06, v32;
	v24 =	vsub.f32 v10, v43;
	v37 =	vmul.f32 v21, v59;
	v21 =	vpop (erf)  }
0x1bd: {  	v32 =	vld.idx.msk [tilespmem:v33+s15+$0x0], $0xffff;
	v23 =	vmul.f32 v50, v48;
	v63 =	vadd.f32 v39, v53;
	v39 =	vmul.f32 v62, v60;
	v26 =	vpop (erf)  }
0x1be: {  	[tilespmem:s29+$0xFFFFFFC0] =	vst v45;
	v62 =	vmul.f32 v45, v30;
	(erf) = vrcp.f32 v18;
	v55 =	vsub.f32 v25, v20;
	v28 =	vld.idx.msk [tilespmem:v28+s14+$0x0], $0xffff;
	v20 =	vpop (erf)  }
0x1bf: {  	s11 =	simm.s32 $0x10;
	[tilespmem:s29+$0xFFFFFFE0] =	vst v50;
	v44 =	vadd.f32 v44, v63;
	v51 =	vmul.f32 v21, v51;
	v57 =	vmul.f32 v20, v24  }
0x1c0: {  	v14 =	vadd.s32 s11, v7;
	[tilespmem:s29+$0x0] =	vst v35;
	v25 =	vld.idx.msk [tilespmem:v52+s15+$0x0], $0xffff;
	v38 =	vmul.f32 v26, v47;
	v41 =	vmul.f32 v37, v27  }
0x1c1: {  	v21 =	vld.idx.msk [tilespmem:v49+s15+$0x0], $0xffff;
	[tilespmem:s29+$0xFFFFFFF0] =	vst v55;
	v36 =	vmul.f32 v36, v44;
	v24 =	vadd.f32 $9.999999740e-06, v61;
	v61 =	vmul.f32 v57, v63  }
0x1c2: {  	v16 =	vadd.f32 v16, v44;
	v20 =	vld.idx.msk [tilespmem:v46+s15+$0x0], $0xffff;
	v60 =	vmul.f32 v51, v53;
	v59 =	vmul.f32 v38, v42  }
0x1c3: {  	v27 =	vld.idx.msk [tilespmem:v54+s15+$0x0], $0xffff;
	[tilespmem:s29+$0x40] =	vst v51;
	(erf) = vrcp.f32 v24;
	v33 =	vadd.f32 $9.999999740e-06, v28;
	v63 =	vsub.f32 v43, v61  }
0x1c4: {  	v26 =	vadd.s32 s11, v8;
	v42 =	vld.idx.msk [tilespmem:v58+s14+$0x0], $0xffff;
	v19 =	vsub.f32 v19, v60;
	[tilespmem:s29+$0x60] =	vst v57;
	v34 =	vsub.f32 v40, v59  }
0x1c5: {  	s30 =	simm.s32 $0x18DD0;
	s1 =	simm.s32 $0x18D40;
	s0 =	simm.s32 $0x17EB0;
	v30 =	vpop (erf);
	v28 =	vld.idx.msk [tilespmem:v56+s15+$0x0], $0xffff;
	(erf) = vrcp.f32 v29;
	v40 =	vadd.s32 s6, v8;
	v43 =	vsub.f32 v31, v62;
	[tilespmem:s29+$0x50] =	vst v63  }
.LBB2_12:
0x1c6: {  	s6 =	sadd.s32 $0x1, s23;
	v44 =	vld.idx.msk [tilespmem:v12+s15+$0x0], $0xffff;
	v45 =	vsub.f32 v25, v21;
	(erf) = vrcp.f32 v33  }
0x1c7: {  	s9 =	sadd.s32 $0x2, s23;
	s21 =	sadd.s32 $0x3, s23;
	v41 =	vsub.f32 v13, v41;
	[tilespmem:s29+$0xFFFFFF80] =	vst v37;
	v31 =	vmovc v25;
	v13 =	vmovc v5;
	v5 =	vmov v20;
	v35 =	vmov v24;
	s11 =	smov.u32 s23  }
0x1c8: {  	s7 =	sadd.s32 $0x9, s23;
	v24 =	vadd.s32 s6, v7;
	v25 =	vadd.s32 s9, v7;
	s10 =	sadd.s32 $0x4, s11;
	s2 =	sadd.s32 $0x5, s11;
	v37 =	vld.idx.msk [tilespmem:v14+s14+$0x0], $0xffff;
	[tilespmem:s29+$0xFFFFFFB0] =	vst v43;
	v43 =	vsub.f32 v10, v36;
	v10 =	vmovc v27  }
0x1c9: {  	p0 =	slt.u32 s23, $0x75;
	v39 =	vsub.f32 v9, v39;
	v9 =	vmovc v21;
	s22 =	sadd.s32 $0x6, s11;
	v36 =	vmovc v32;
	v27 =	vadd.s32 s10, v7;
	v46 =	vadd.s32 s2, v7;
	[tilespmem:s1+$0x0] =	vst v1  }
0x1ca: {  	v23 =	vsub.f32 v11, v23;
	v32 =	vadd.s32 s9, v8;
	v21 =	vadd.s32 s22, v7;
	[tilespmem:s29+$0xFFFFFFA0] =	vst v38  }
0x1cb: {  	s23 =	sadd.s32 $0x7, s11;
	v12 =	vadd.s32 s10, v8;
	v20 =	vsub.f32 v20, v10;
	v49 =	vadd.f32 $9.999999740e-06, v42;
	v40 =	vld.idx.msk [tilespmem:v40+s15+$0x0], $0xffff;
	v38 =	vpop (erf);
	[tilespmem:s29+$0xFFFFFF70] =	vst v41  }
0x1cc: {  	v14 =	vadd.s32 s23, v7;
	v42 =	vadd.f32 $9.999999740e-06, v22;
	v41 =	vsub.f32 v28, v36;
	v22 =	vpop (erf);
	[tilespmem:s29+$0x10] =	vst v39  }
0x1cd: {  	v50 =	vadd.f32 $9.999999740e-06, v15;
	v11 =	vmovc v28;
	v47 =	vadd.f32 v49, v16;
	v48 =	vld.idx.msk [tilespmem:v26+s15+$0x0], $0xffff;
	(erf) = vrcp.f32 v49;
	[tilespmem:s1+$0x10] =	vst v1  }
0x1ce: {  	v28 =	vadd.f32 $9.999999740e-06, v37;
	v26 =	vld.idx.msk [tilespmem:v27+s14+$0x0], $0xffff;
	v27 =	vsub.f32 v44, v11;
	v37 =	vpop (erf);
	(erf) = vrcp.f32 v42;
	[tilespmem:s29+$0x70] =	vst v43  }
0x1cf: {  	s9 =	sadd.s32 $0x8, s11;
	v43 =	vadd.f32 v50, v47;
	v15 =	vld.idx.msk [tilespmem:v24+s14+$0x0], $0xffff;
	v49 =	vmul.f32 v37, v41;
	(erf) = vrcp.f32 v50;
	[tilespmem:s29+$0xFFFFFFD0] =	vst v23  }
0x1d0: {  	v37 =	vadd.s32 s9, v7;
	v23 =	vsub.f32 v9, v44;
	v24 =	vld.idx.msk [tilespmem:v46+s14+$0x0], $0xffff;
	v39 =	vpop (erf);
	(erf) = vrcp.f32 v28;
	[tilespmem:s1+$0xFFFFFFC0] =	vst v1  }
0x1d1: {  	v46 =	vadd.s32 s7, v8;
	v50 =	vsub.f32 v36, v40;
	v29 =	vadd.f32 v29, v43;
	[tilespmem:s29+$0xFFFFFF90] =	vst v34  }
0x1d2: {  	v34 =	vadd.s32 s2, v8;
	v27 =	vmul.f32 v39, v27;
	v30 =	vmul.f32 v30, v23;
	[tilespmem:s1+$0xFFFFFFF0] =	vst v1  }
0x1d3: {  	v51 =	vmul.f32 v22, v20;
	v33 =	vadd.f32 v33, v29;
	v39 =	vsub.f32 v48, v31;
	[tilespmem:s1+$0xFFFFFFE0] =	vst v1  }
0x1d4: {  	v20 =	vadd.s32 s22, v8;
	v52 =	vadd.f32 $9.999999740e-06, v26;
	v23 =	vmul.f32 v27, v29;
	[tilespmem:s0+$0xFFFFFFC0] =	vst v49  }
0x1d5: {  	v41 =	vsub.f32 v40, v13;
	v26 =	vadd.s32 s21, v7;
	v17 =	vadd.f32 v17, v33;
	v22 =	vld.idx.msk [tilespmem:v21+s14+$0x0], $0xffff;
	[tilespmem:s1+$0x30] =	vst v1  }
0x1d6: {  	v57 =	vmul.f32 v30, v33;
	v53 =	vadd.f32 $9.999999740e-06, v24;
	v24 =	vld.idx.msk [tilespmem:v37+s14+$0x0], $0xffff;
	(erf) = vrcp.f32 v52;
	[tilespmem:s0+$0xFFFFFFE0] =	vst v27;
	v29 =	vpop (erf)  }
0x1d7: {  	v18 =	vadd.f32 v18, v17;
	v37 =	vmul.f32 v29, v41;
	v29 =	vmul.f32 v38, v45;
	v21 =	vpop (erf);
	[tilespmem:s1+$0x40] =	vst v1  }
0x1d8: {  	v55 =	vsub.f32 v10, v48;
	v45 =	vadd.s32 s9, v8;
	v33 =	vld.idx.msk [tilespmem:v25+s14+$0x0], $0xffff;
	v54 =	vmul.f32 v21, v39;
	[tilespmem:s0+$0x80] =	vst v51;
	v25 =	vpop (erf)  }
0x1d9: {  	v56 =	vadd.s32 s21, v8;
	v44 =	vsub.f32 v44, v57;
	v21 =	vld.idx.msk [tilespmem:v34+s15+$0x0], $0xffff;
	[tilespmem:s0+$0x0] =	vst v30;
	v30 =	vadd.f32 v42, v18;
	v27 =	vpop (erf)  }
0x1da: {  	v41 =	vmul.f32 v37, v16;
	v38 =	vmul.f32 v25, v50;
	v57 =	vld.idx.msk [tilespmem:v26+s14+$0x0], $0xffff;
	v26 =	vadd.s32 s23, v8;
	[tilespmem:s0+$0x20] =	vst v29  }
0x1db: {  	v42 =	vadd.s32 s11, v7;
	v39 =	vmul.f32 v29, v17;
	v50 =	vmul.f32 v27, v55;
	v25 =	vld.idx.msk [tilespmem:v20+s15+$0x0], $0xffff;
	[tilespmem:s29+$0x30] =	vst v19;
	s29 =	smov.u32 s0  }
0x1dc: {  	v18 =	vmul.f32 v54, v18;
	v24 =	vadd.f32 $9.999999740e-06, v24;
	v16 =	vmul.f32 v38, v47;
	v20 =	vld.idx.msk [tilespmem:v46+s15+$0x0], $0xffff;
	[tilespmem:s1+$0x20] =	vst v1  }
.Ltmp4:
0x1dd: {  	v19 =	vmul.f32 v50, v30;
	v27 =	vld.idx.msk [tilespmem:v45+s15+$0x0], $0xffff;
	(erf) = vrcp.f32 v53;
	v45 =	vadd.f32 v28, v30;
	[tilespmem:s1+$0xFFFFFFD0] =	vst v1;
	s1 =	smov.u32 s30;
	(pc) =	sbr.rel @p0 .LBB2_12-.Ltmp4, $4  }
0x1de: {  	v17 =	vmovc v52;
	v29 =	vadd.f32 $9.999999740e-06, v33;
	v34 =	vsub.f32 v40, v16;
	v32 =	vld.idx.msk [tilespmem:v32+s15+$0x0], $0xffff;
	(erf) = vrcp.f32 v24;
	[tilespmem:s0+$0x40] =	vst v54  }
0x1df: {  	v43 =	vmul.f32 v49, v43;
	v30 =	vpop (erf);
	[tilespmem:s0+$0xFFFFFFF0] =	vst v44;
	v44 =	vsub.f32 v48, v19;
	v16 =	vadd.f32 v35, v45  }
0x1e0: {  	v33 =	vadd.f32 $9.999999740e-06, v57;
	v19 =	vsub.f32 v31, v18;
	v18 =	vmovc v53;
	v42 =	vld.idx.msk [tilespmem:v42+s14+$0x0], $0xffff;
	(erf) = vrcp.f32 v29;
	[tilespmem:s0+$0x60] =	vst v50  }
0x1e1: {  	v43 =	vsub.f32 v36, v43;
	s23 =	smov.u32 s7;
	v40 =	vadd.s32 s6, v8;
	s30 =	sadd.s32 $0x90, s30;
	v36 =	vmul.f32 v51, v45;
	s0 =	sadd.s32 $0x120, s0;
	v28 =	vld.idx.msk [tilespmem:v56+s15+$0x0], $0xffff;
	[tilespmem:s29+$0x50] =	vst v44  }
0x1e2: {  	[tilespmem:s29+$0xFFFFFF80] =	vst v37  }
0x1e3: {  	[tilespmem:s1+$0x0] =	vst v1  }
0x1e4: {  	[tilespmem:s29+$0xFFFFFFA0] =	vst v38  }
0x1e5: {  	[tilespmem:s29+$0xFFFFFF90] =	vst v34  }
0x1e6: {  	[tilespmem:s1+$0x30] =	vst v1  }
0x1e7: {  	[tilespmem:s29+$0x30] =	vst v19  }
0x1e8: {  	[tilespmem:s29+$0xFFFFFFB0] =	vst v43  }
0x1e9: {  	v8 =	vsub.f32 v13, v41;
	[tilespmem:s1+$0x20] =	vst v1  }
0x1ea: {  	v13 =	vld.idx.msk [tilespmem:v14+s14+$0x0], $0xffff;
	v9 =	vsub.f32 v9, v39;
	[tilespmem:s1+$0xFFFFFFD0] =	vst v1  }
0x1eb: {  	v11 =	vsub.f32 v11, v23;
	[tilespmem:s29+$0xFFFFFF70] =	vst v8;
	v8 =	vsub.f32 v10, v36  }
0x1ec: {  	(erf) = vrcp.f32 v33;
	[tilespmem:s29+$0x10] =	vst v9;
	v10 =	vadd.f32 $9.999999740e-06, v42  }
0x1ed: {  	v9 =	vld.idx.msk [tilespmem:v12+s15+$0x0], $0xffff;
	v12 =	vadd.f32 $9.999999740e-06, v22;
	[tilespmem:s29+$0xFFFFFFD0] =	vst v11  }
0x1ee: {  	v14 =	vadd.f32 $9.999999740e-06, v15;
	[tilespmem:s1+$0xFFFFFFE0] =	vst v1;
	(erf) = vrcp.f32 v10  }
0x1ef: {  	[tilespmem:s29+$0x70] =	vst v8;
	v10 =	vadd.f32 v10, v16;
	v13 =	vadd.f32 $9.999999740e-06, v13;
	v8 =	vpop (erf);
	(erf) = vrcp.f32 v12  }
0x1f0: {  	v58 =	vsub.f32 v25, v21;
	[tilespmem:s1+$0x10] =	vst v1;
	v15 =	vpop (erf);
	(erf) = vrcp.f32 v14  }
0x1f1: {  	v26 =	vld.idx.msk [tilespmem:v26+s15+$0x0], $0xffff;
	[tilespmem:s1+$0xFFFFFFC0] =	vst v1;
	v11 =	vsub.f32 v28, v32;
	v14 =	vadd.f32 v14, v10;
	v53 =	vpop (erf);
	(erf) = vrcp.f32 v13  }
0x1f2: {  	v31 =	vsub.f32 v20, v27;
	v61 =	vld.idx.msk [tilespmem:v40+s15+$0x0], $0xffff;
	[tilespmem:s1+$0xFFFFFFF0] =	vst v1;
	v8 =	vmul.f32 v8, v58  }
0x1f3: {  	[tilespmem:s1+$0x40] =	vst v1;
	v56 =	vsub.f32 v21, v9;
	v11 =	vmul.f32 v53, v11;
	v29 =	vadd.f32 v29, v14  }
0x1f4: {  	v54 =	vsub.f32 v9, v28;
	v15 =	vmul.f32 v15, v31;
	[tilespmem:s0+$0x20] =	vst v8  }
0x1f5: {  	v55 =	vpop (erf);
	v23 =	vmul.f32 v30, v56;
	[tilespmem:s0+$0xFFFFFFC0] =	vst v11;
	v57 =	vadd.f32 v33, v29;
	v11 =	vmul.f32 v11, v14  }
0x1f6: {  	v35 =	vsub.f32 v27, v26;
	v22 =	vmul.f32 v55, v54;
	[tilespmem:s0+$0x80] =	vst v15  }
0x1f7: {  	[tilespmem:s0+$0x0] =	vst v23;
	v17 =	vadd.f32 v17, v57;
	v23 =	vmul.f32 v23, v57;
	v11 =	vsub.f32 v32, v11;
	v59 =	vpop (erf)  }
0x1f8: {  	v63 =	vsub.f32 v26, v25;
	v43 =	vsub.f32 v61, v5;
	[tilespmem:s0+$0xFFFFFFE0] =	vst v22;
	v60 =	vpop (erf)  }
0x1f9: {  	v18 =	vadd.f32 v18, v17;
	v9 =	vsub.f32 v9, v23;
	[tilespmem:s0+$0xFFFFFFB0] =	vst v11;
	v62 =	vpop (erf)  }
0x1fa: {  	v14 =	vmul.f32 v59, v43;
	v8 =	vmul.f32 v8, v17;
	[tilespmem:s30+$0xFFFFFFE0] =	vst v1;
	v40 =	vpop (erf)  }
0x1fb: {  	v19 =	vmul.f32 v60, v63;
	v12 =	vadd.f32 v12, v18;
	[tilespmem:s0+$0xFFFFFFF0] =	vst v9;
	v41 =	vmul.f32 v40, v35  }
0x1fc: {  	[tilespmem:s0+$0xFFFFFF80] =	vst v14  }
0x1fd: {  	v8 =	vsub.f32 v21, v8;
	[tilespmem:s0+$0x40] =	vst v19;
	v42 =	vmul.f32 v41, v12  }
0x1fe: {  	[tilespmem:s30+$0x0] =	vst v1  }
0x1ff: {  	[tilespmem:s0+$0x10] =	vst v8;
	v9 =	vsub.f32 v26, v42  }
0x200: {  	v44 =	vsub.f32 v32, v61;
	[tilespmem:s0+$0x60] =	vst v41  }
0x201: {  	v12 =	vadd.f32 v13, v12;
	[tilespmem:s0+$0x50] =	vst v9;
	v9 =	vmul.f32 v14, v16  }
0x202: {  	[tilespmem:s30+$0x10] =	vst v1;
	v14 =	vmul.f32 v62, v44  }
0x203: {  	[tilespmem:s30+$0x30] =	vst v1;
	v5 =	vsub.f32 v5, v9;
	v9 =	vmul.f32 v15, v12  }
0x204: {  	v11 =	vmul.f32 v22, v29;
	[tilespmem:s0+$0xFFFFFFA0] =	vst v14  }
0x205: {  	v8 =	vmul.f32 v14, v10;
	[tilespmem:s0+$0xFFFFFF70] =	vst v5;
	v5 =	vsub.f32 v27, v9  }
0x206: {  	v9 =	vsub.f32 v28, v11;
	[tilespmem:s30+$0xFFFFFFC0] =	vst v1  }
0x207: {  	[tilespmem:s0+$0x70] =	vst v5;
	v5 =	vsub.f32 v61, v8  }
0x208: {  	[tilespmem:s0+$0xFFFFFFD0] =	vst v9  }
0x209: {  	[tilespmem:s0+$0xFFFFFF90] =	vst v5;
	v5 =	vmul.f32 v19, v18  }
0x20a: {  	[tilespmem:s30+$0xFFFFFFF0] =	vst v1  }
0x20b: {  	[tilespmem:s30+$0x40] =	vst v1;
	v5 =	vsub.f32 v25, v5  }
0x20c: {  	[tilespmem:s30+$0xFFFFFFD0] =	vst v1  }
0x20d: {  	[tilespmem:s0+$0x30] =	vst v5  }
0x20e: {  	s21 =	simm.s32 $0x0;
	[tilespmem:s30+$0x20] =	vst v1  }
0x20f: {  	v8 =	vimm.f32 $0.0e+00;
	v9 =	vadd.s32 s21, v7;
	[tilespmem:$0x18CC0] =	vst v20  }
0x210: {  	s22 =	simm.s32 $0x1;
	[tilespmem:$0x18CD0] =	vst v8  }
0x211: {  	s23 =	simm.s32 $0x2;
	v10 =	vadd.s32 s22, v7;
	v5 =	vadd.f32 v24, v12;
	[tilespmem:$0x194E0] =	vst v1  }
0x212: {  	v11 =	vadd.s32 s23, v7;
	[tilespmem:$0x194F0] =	vst v1  }
0x213: {  	(erf) = vrcp.f32 v5;
	[tilespmem:$0x19500] =	vst v1  }
0x214: {  	s29 =	simm.s32 $0x3;
	v9 =	vld.idx.msk [tilespmem:v9+s14+$0x0], $0xffff  }
0x215: {  	v12 =	vadd.s32 s29, v7  }
0x216: {  	s30 =	simm.s32 $0x4;
	v10 =	vld.idx.msk [tilespmem:v10+s14+$0x0], $0xffff  }
0x217: {  	v13 =	vadd.s32 s30, v7;
	v11 =	vld.idx.msk [tilespmem:v11+s14+$0x0], $0xffff  }
0x218: {  	s1 =	simm.s32 $0x5  }
0x219: {  	v14 =	vadd.s32 s1, v7;
	v9 =	vadd.f32 $9.999999740e-06, v9  }
0x21a: {  	s2 =	simm.s32 $0x6;
	v12 =	vld.idx.msk [tilespmem:v12+s14+$0x0], $0xffff  }
0x21b: {  	s7 =	simm.s32 $0x8;
	s11 =	simm.s32 $0xC;
	v16 =	vadd.s32 s2, v7;
	v10 =	vadd.f32 $9.999999740e-06, v10;
	v9 =	vadd.f32 v9, v8  }
0x21c: {  	s6 =	simm.s32 $0x7;
	v46 =	vadd.s32 s11, v7;
	v17 =	vadd.s32 s7, v7;
	v13 =	vld.idx.msk [tilespmem:v13+s14+$0x0], $0xffff;
	v11 =	vadd.f32 $9.999999740e-06, v11;
	v15 =	vpop (erf)  }
0x21d: {  	s22 =	simm.s32 $0xE;
	s23 =	simm.s32 $0xF;
	s21 =	simm.s32 $0xD;
	v8 =	vmul.f32 $1.280000000e+02, v15;
	v15 =	vadd.s32 s6, v7;
	v10 =	vadd.f32 v10, v9  }
0x21e: {  	s9 =	simm.s32 $0xA;
	v48 =	vadd.s32 s22, v7;
	v51 =	vadd.s32 s23, v7;
	v47 =	vadd.s32 s21, v7;
	v14 =	vld.idx.msk [tilespmem:v14+s14+$0x0], $0xffff  }
0x21f: {  	v19 =	vadd.s32 s9, v7;
	s29 =	simm.s32 $0x10;
	v12 =	vadd.f32 $9.999999740e-06, v12;
	v11 =	vadd.f32 v11, v10  }
0x220: {  	v52 =	vadd.s32 s29, v7;
	s30 =	simm.s32 $0x11;
	v16 =	vld.idx.msk [tilespmem:v16+s14+$0x0], $0xffff;
	v9 =	vmul.f32 v9, v8;
	v10 =	vmul.f32 v10, v8  }
0x221: {  	v54 =	vadd.s32 s30, v7;
	v13 =	vadd.f32 $9.999999740e-06, v13;
	v12 =	vadd.f32 v12, v11  }
0x222: {  	v9 =	vsub.f32 $1.285000000e+02, v9;
	v11 =	vmul.f32 v11, v8;
	v10 =	vsub.f32 $1.285000000e+02, v10;
	v15 =	vld.idx.msk [tilespmem:v15+s14+$0x0], $0xffff  }
0x223: {  	v18 =	vmul.f32 v12, v8;
	v12 =	vadd.f32 v13, v12;
	v13 =	vadd.f32 $9.999999740e-06, v14  }
0x224: {  	v9 =	vtrunc.f32 v9;
	v14 =	vld.idx.msk [tilespmem:v17+s14+$0x0], $0xffff;
	v10 =	vtrunc.f32 v10;
	v11 =	vsub.f32 $1.285000000e+02, v11  }
0x225: {  	v17 =	vmul.f32 v12, v8;
	v12 =	vadd.f32 v13, v12;
	v13 =	vadd.f32 $9.999999740e-06, v16  }
0x226: {  	v9 =	vcvt.f32.s32 v9;
	v10 =	vcvt.f32.s32 v10;
	v16 =	vsub.f32 $1.285000000e+02, v18  }
0x227: {  	s8 =	simm.s32 $0x9;
	v18 =	vmul.f32 v12, v8;
	v12 =	vadd.f32 v13, v12;
	v13 =	vadd.f32 $9.999999740e-06, v15  }
0x228: {  	v15 =	vtrunc.f32 v16;
	v16 =	vsub.f32 $1.285000000e+02, v17;
	v17 =	vadd.s32 s8, v7  }
0x229: {  	v11 =	vtrunc.f32 v11;
	v14 =	vadd.f32 $9.999999740e-06, v14;
	v13 =	vadd.f32 v13, v12  }
0x22a: {  	v11 =	vcvt.f32.s32 v11;
	v16 =	vtrunc.f32 v16;
	v18 =	vsub.f32 $1.285000000e+02, v18  }
0x22b: {  	s10 =	simm.s32 $0xB;
	v12 =	vmul.f32 v12, v8;
	v20 =	vmul.f32 v13, v8;
	v13 =	vadd.f32 v14, v13  }
0x22c: {  	v14 =	vcvt.f32.s32 v16;
	v16 =	vtrunc.f32 v18;
	v18 =	vadd.s32 s10, v7  }
0x22d: {  	v10 =	vshll.u32 v10, $0x4;
	v12 =	vsub.f32 $1.285000000e+02, v12;
	v17 =	vld.idx.msk [tilespmem:v17+s14+$0x0], $0xffff;
	v45 =	vmul.f32 v13, v8  }
0x22e: {  	v9 =	vshll.u32 v9, $0x4;
	v15 =	vcvt.f32.s32 v15;
	v20 =	vsub.f32 $1.285000000e+02, v20  }
0x22f: {  	v19 =	vld.idx.msk [tilespmem:v19+s14+$0x0], $0xffff;
	v49 =	vshll.u32 v11, $0x4;
	v12 =	vtrunc.f32 v12;
	v21 =	vsub.f32 $1.285000000e+02, v45  }
0x230: {  	v58 =	vsub.s32 v2, v49;
	v12 =	vcvt.f32.s32 v12;
	v20 =	vtrunc.f32 v20  }
0x231: {  	v11 =	vshll.u32 v15, $0x4;
	v20 =	vcvt.f32.s32 v20;
	v18 =	vld.idx.msk [tilespmem:v18+s14+$0x0], $0xffff;
	v21 =	vtrunc.f32 v21  }
0x232: {  	v55 =	vsub.s32 v2, v11;
	v15 =	vadd.f32 $9.999999740e-06, v17;
	v21 =	vcvt.f32.s32 v21  }
0x233: {  	v50 =	vld.idx.msk [tilespmem:v46+s14+$0x0], $0xffff;
	v16 =	vcvt.f32.s32 v16;
	v12 =	vshll.u32 v12, $0x4;
	v20 =	vshll.u32 v20, $0x4  }
0x234: {  	v13 =	vadd.f32 v15, v13;
	v15 =	vadd.f32 $9.999999740e-06, v19;
	v17 =	vshll.u32 v21, $0x4  }
0x235: {  	v53 =	vsub.s32 v2, v12;
	v19 =	vsub.s32 v2, v20;
	v20 =	vld.idx.msk [tilespmem:v47+s14+$0x0], $0xffff;
	v17 =	vsub.s32 v2, v17  }
0x236: {  	v12 =	vmul.f32 v13, v8;
	v13 =	vadd.f32 v15, v13;
	v15 =	vadd.f32 $9.999999740e-06, v18  }
0x237: {  	v11 =	vsub.s32 v2, v10;
	v14 =	vshll.u32 v14, $0x4;
	v16 =	vshll.u32 v16, $0x4;
	v18 =	vld.idx.msk [tilespmem:v48+s14+$0x0], $0xffff  }
0x238: {  	v57 =	vld.idx.msk [tilespmem:v51+s14+$0x0], $0xffff;
	v56 =	vmul.f32 v13, v8;
	v13 =	vadd.f32 v15, v13;
	v15 =	vadd.f32 $9.999999740e-06, v50  }
0x239: {  	v14 =	vsub.s32 v2, v14;
	[tilespmem:v58+s16+$0x0] =	vst.idx.add.s32.msk $0xffff, v3;
	v16 =	vsub.s32 v2, v16;
	v12 =	vsub.f32 $1.285000000e+02, v12  }
0x23a: {  	v10 =	vmul.f32 v13, v8;
	v13 =	vadd.f32 v15, v13;
	v15 =	vadd.f32 $9.999999740e-06, v20;
	v20 =	vld.idx.msk [tilespmem:v52+s14+$0x0], $0xffff  }
0x23b: {  	v59 =	vsub.f32 $1.285000000e+02, v56;
	[tilespmem:v17+s16+$0x0] =	vst.idx.add.s32.msk $0xffff, v3;
	v17 =	vtrunc.f32 v12;
	v12 =	vsub.s32 v2, v9  }
0x23c: {  	[tilespmem:v19+s16+$0x0] =	vst.idx.add.s32.msk $0xffff, v3;
	v18 =	vadd.f32 $9.999999740e-06, v18;
	v19 =	vmul.f32 v13, v8;
	v13 =	vadd.f32 v15, v13  }
0x23d: {  	v15 =	vld.idx.msk [tilespmem:v54+s14+$0x0], $0xffff;
	v9 =	vcvt.f32.s32 v17;
	v17 =	vtrunc.f32 v59;
	v60 =	vsub.f32 $1.285000000e+02, v10  }
0x23e: {  	[tilespmem:v55+s16+$0x0] =	vst.idx.add.s32.msk $0xffff, v3;
	v61 =	vmul.f32 v13, v8;
	v13 =	vadd.f32 v18, v13;
	v18 =	vadd.f32 $9.999999740e-06, v57  }
0x23f: {  	[tilespmem:v14+s16+$0x0] =	vst.idx.add.s32.msk $0xffff, v3;
	v10 =	vcvt.f32.s32 v17;
	v62 =	vtrunc.f32 v60;
	v63 =	vsub.f32 $1.285000000e+02, v19  }
0x240: {  	[tilespmem:v16+s16+$0x0] =	vst.idx.add.s32.msk $0xffff, v3;
	v19 =	vadd.f32 $9.999999740e-06, v20;
	v16 =	vmul.f32 v13, v8;
	v17 =	vadd.f32 v18, v13  }
0x241: {  	s0 =	simm.s32 $0x12;
	[tilespmem:v53+s16+$0x0] =	vst.idx.add.s32.msk $0xffff, v3;
	v13 =	vcvt.f32.s32 v62;
	v14 =	vtrunc.f32 v63;
	v18 =	vsub.f32 $1.285000000e+02, v61  }
.LBB2_14:
0x242: {  	v20 =	vadd.s32 s0, v7;
	p0 =	slt.u32 s0, $0x75;
	v19 =	vadd.f32 v19, v17;
	v15 =	vadd.f32 $9.999999740e-06, v15;
	[tilespmem:v11+s16+$0x0] =	vst.idx.add.s32.msk $0xffff, v3  }
0x243: {  	s1 =	sadd.s32 $0x1, s0;
	v16 =	vsub.f32 $1.285000000e+02, v16;
	v17 =	vmul.f32 v17, v8;
	v11 =	vtrunc.f32 v18;
	[tilespmem:v12+s16+$0x0] =	vst.idx.add.s32.msk $0xffff, v3  }
0x244: {  	v12 =	vadd.s32 s1, v7;
	v18 =	vmul.f32 v19, v8;
	v15 =	vadd.f32 v15, v19  }
0x245: {  	s1 =	sadd.s32 $0x2, s0;
	v11 =	vcvt.f32.s32 v11;
	v16 =	vtrunc.f32 v16;
	v17 =	vsub.f32 $1.285000000e+02, v17  }
0x246: {  	v19 =	vadd.s32 s1, v7;
	v18 =	vsub.f32 $1.285000000e+02, v18;
	v21 =	vmul.f32 v15, v8  }
0x247: {  	s1 =	sadd.s32 $0x3, s0;
	v16 =	vcvt.f32.s32 v16;
	v11 =	vshll.u32 v11, $0x4;
	v17 =	vtrunc.f32 v17;
	v20 =	vld.idx.msk [tilespmem:v20+s14+$0x0], $0xffff  }
0x248: {  	v22 =	vadd.s32 s1, v7;
	v18 =	vtrunc.f32 v18;
	v21 =	vsub.f32 $1.285000000e+02, v21  }
0x249: {  	s1 =	sadd.s32 $0x4, s0;
	v16 =	vshll.u32 v16, $0x4;
	v17 =	vcvt.f32.s32 v17;
	v12 =	vld.idx.msk [tilespmem:v12+s14+$0x0], $0xffff;
	v18 =	vcvt.f32.s32 v18  }
0x24a: {  	v14 =	vcvt.f32.s32 v14;
	v23 =	vadd.s32 s1, v7;
	v21 =	vtrunc.f32 v21  }
0x24b: {  	s1 =	sadd.s32 $0x5, s0;
	v17 =	vshll.u32 v17, $0x4;
	v19 =	vld.idx.msk [tilespmem:v19+s14+$0x0], $0xffff;
	v18 =	vshll.u32 v18, $0x4;
	v21 =	vcvt.f32.s32 v21  }
0x24c: {  	v13 =	vshll.u32 v13, $0x4;
	v14 =	vshll.u32 v14, $0x4;
	v24 =	vadd.s32 s1, v7  }
0x24d: {  	v10 =	vshll.u32 v10, $0x4;
	s1 =	sadd.s32 $0x6, s0;
	v20 =	vadd.f32 $9.999999740e-06, v20;
	v22 =	vld.idx.msk [tilespmem:v22+s14+$0x0], $0xffff;
	v21 =	vshll.u32 v21, $0x4  }
0x24e: {  	v9 =	vshll.u32 v9, $0x4;
	v25 =	vadd.s32 s1, v7;
	v21 =	vsub.s32 v2, v21  }
0x24f: {  	s1 =	sadd.s32 $0x7, s0;
	v18 =	vsub.s32 v2, v18;
	v15 =	vadd.f32 v20, v15;
	v12 =	vadd.f32 $9.999999740e-06, v12;
	v20 =	vld.idx.msk [tilespmem:v23+s14+$0x0], $0xffff  }
0x250: {  	v16 =	vsub.s32 v2, v16;
	v17 =	vsub.s32 v2, v17;
	v23 =	vadd.s32 s1, v7  }
0x251: {  	s1 =	sadd.s32 $0x8, s0;
	v26 =	vmul.f32 v15, v8;
	v12 =	vadd.f32 v12, v15;
	v15 =	vadd.f32 $9.999999740e-06, v19;
	v19 =	vld.idx.msk [tilespmem:v24+s14+$0x0], $0xffff  }
0x252: {  	v14 =	vsub.s32 v2, v14;
	v27 =	vsub.s32 v2, v11;
	v24 =	vadd.s32 s1, v7  }
0x253: {  	v28 =	vmul.f32 v12, v8;
	v12 =	vadd.f32 v15, v12;
	v15 =	vadd.f32 $9.999999740e-06, v22;
	v22 =	vld.idx.msk [tilespmem:v25+s14+$0x0], $0xffff  }
0x254: {  	v11 =	vsub.s32 v2, v10;
	v25 =	vsub.f32 $1.285000000e+02, v26;
	v26 =	vsub.s32 v2, v13;
	[tilespmem:v21+s16+$0x0] =	vst.idx.add.s32.msk $0xffff, v3  }
0x255: {  	v10 =	vmul.f32 v12, v8;
	v13 =	vadd.f32 v15, v12;
	v15 =	vadd.f32 $9.999999740e-06, v20;
	v20 =	vld.idx.msk [tilespmem:v23+s14+$0x0], $0xffff  }
0x256: {  	v12 =	vsub.s32 v2, v9;
	v21 =	vtrunc.f32 v25;
	v23 =	vsub.f32 $1.285000000e+02, v28;
	[tilespmem:v18+s16+$0x0] =	vst.idx.add.s32.msk $0xffff, v3  }
0x257: {  	v18 =	vmul.f32 v13, v8;
	v13 =	vadd.f32 v15, v13;
	v19 =	vadd.f32 $9.999999740e-06, v19;
	v15 =	vld.idx.msk [tilespmem:v24+s14+$0x0], $0xffff  }
.Ltmp5:
0x258: {  	v9 =	vcvt.f32.s32 v21;
	v21 =	vtrunc.f32 v23;
	v23 =	vsub.f32 $1.285000000e+02, v10;
	[tilespmem:v17+s16+$0x0] =	vst.idx.add.s32.msk $0xffff, v3;
	(pc) =	sbr.rel @p0 .LBB2_14-.Ltmp5, $4  }
0x259: {  	v24 =	vmul.f32 v13, v8;
	v13 =	vadd.f32 v19, v13;
	v17 =	vadd.f32 $9.999999740e-06, v22;
	[tilespmem:v16+s16+$0x0] =	vst.idx.add.s32.msk $0xffff, v3  }
0x25a: {  	v10 =	vcvt.f32.s32 v21;
	v18 =	vsub.f32 $1.285000000e+02, v18;
	v21 =	vtrunc.f32 v23;
	[tilespmem:v27+s16+$0x0] =	vst.idx.add.s32.msk $0xffff, v3  }
0x25b: {  	v16 =	vmul.f32 v13, v8;
	v17 =	vadd.f32 v17, v13;
	v19 =	vadd.f32 $9.999999740e-06, v20;
	[tilespmem:v14+s16+$0x0] =	vst.idx.add.s32.msk $0xffff, v3  }
0x25c: {  	s0 =	sadd.s32 $0x9, s0;
	v13 =	vcvt.f32.s32 v21;
	v14 =	vtrunc.f32 v18;
	v18 =	vsub.f32 $1.285000000e+02, v24;
	[tilespmem:v26+s16+$0x0] =	vst.idx.add.s32.msk $0xffff, v3  }
0x25d: {  	v7 =	vadd.f32 v19, v17;
	v15 =	vadd.f32 $9.999999740e-06, v15;
	_ =	sdelay $0x1  }
0x25e: {  	v16 =	vsub.f32 $1.285000000e+02, v16;
	v15 =	vadd.f32 v15, v7;
	v7 =	vmul.f32 v7, v8  }
0x25f: {  	v14 =	vcvt.f32.s32 v14  }
0x260: {  	v13 =	vshll.u32 v13, $0x4;
	v16 =	vtrunc.f32 v16;
	v7 =	vsub.f32 $1.285000000e+02, v7  }
0x261: {  	[tilespmem:v12+s16+$0x0] =	vst.idx.add.s32.msk $0xffff, v3;
	v12 =	vshll.u32 v14, $0x4;
	v16 =	vcvt.f32.s32 v16;
	v15 =	vmul.f32 v15, v8  }
0x262: {  	v13 =	vsub.s32 v2, v13;
	v8 =	vmul.f32 v17, v8;
	v7 =	vtrunc.f32 v7  }
0x263: {  	v17 =	vtrunc.f32 v18;
	v15 =	vsub.f32 $1.285000000e+02, v15;
	v7 =	vcvt.f32.s32 v7  }
0x264: {  	v12 =	vsub.s32 v2, v12;
	v17 =	vcvt.f32.s32 v17;
	v8 =	vsub.f32 $1.285000000e+02, v8  }
0x265: {  	v16 =	vshll.u32 v16, $0x4;
	v15 =	vtrunc.f32 v15;
	v7 =	vshll.u32 v7, $0x4  }
0x266: {  	v8 =	vtrunc.f32 v8;
	v15 =	vcvt.f32.s32 v15;
	v7 =	vsub.s32 v2, v7  }
0x267: {  	[tilespmem:v11+s16+$0x0] =	vst.idx.add.s32.msk $0xffff, v3;
	v16 =	vsub.s32 v2, v16;
	v11 =	vshll.u32 v17, $0x4;
	v8 =	vcvt.f32.s32 v8  }
0x268: {  	v11 =	vsub.s32 v2, v11;
	v15 =	vshll.u32 v15, $0x4  }
0x269: {  	[tilespmem:v13+s16+$0x0] =	vst.idx.add.s32.msk $0xffff, v3;
	v8 =	vshll.u32 v8, $0x4;
	v15 =	vsub.s32 v2, v15  }
0x26a: {  	v10 =	vshll.u32 v10, $0x4;
	[tilespmem:v12+s16+$0x0] =	vst.idx.add.s32.msk $0xffff, v3;
	v8 =	vsub.s32 v2, v8  }
0x26b: {  	[tilespmem:v7+s16+$0x0] =	vst.idx.add.s32.msk $0xffff, v3;
	v7 =	vshll.u32 v9, $0x4;
	v9 =	vsub.s32 v2, v10  }
0x26c: {  	s6 =	simm.s32 $0xE;
	[tilespmem:v16+s16+$0x0] =	vst.idx.add.s32.msk $0xffff, v3;
	v7 =	vsub.s32 v2, v7  }
0x26d: {  	s9 =	simm.s32 $0x5;
	v14 =	vmov s6;
	[tilespmem:v11+s16+$0x0] =	vst.idx.add.s32.msk $0xffff, v3  }
0x26e: {  	v6 =	vshll.u32 v6, $0x7;
	s10 =	simm.s32 $0xC;
	v20 =	vmov s9;
	s9 =	simm.s32 $0xB;
	v14 =	vand.u32 $0x7E, v14;
	[tilespmem:v15+s16+$0x0] =	vst.idx.add.s32.msk $0xffff, v3  }
0x26f: {  	s8 =	simm.s32 $0xA;
	v52 =	vmov s10;
	v48 =	vmov s9;
	v14 =	vbroadcast v14, $0x0;
	[tilespmem:v8+s16+$0x0] =	vst.idx.add.s32.msk $0xffff, v3  }
0x270: {  	s22 =	simm.s32 $0x9;
	v58 =	vmov s8;
	v52 =	vand.u32 $0x7C, v52;
	v59 =	vand.u32 $0x7B, v48;
	[tilespmem:v9+s16+$0x0] =	vst.idx.add.s32.msk $0xffff, v3  }
0x271: {  	s0 =	simm.s32 $0x18D80;
	s6 =	simm.s32 $0xD;
	v52 =	vbroadcast v52, $0x0;
	v14 =	vor.u32 v6, v14;
	v16 =	vmov s22;
	[tilespmem:v7+s16+$0x0] =	vst.idx.add.s32.msk $0xffff, v3  }
0x272: {  	s2 =	simm.s32 $0x8;
	v17 =	vimm.f32 $3.906250000e-03;
	v22 =	vand.u32 $0x79, v16;
	v16 =	vmov s6;
	v7 =	vld [tilespmem:s0+$0xFFFFFF80]  }
0x273: {  	v11 =	vimm.s32 $0x0;
	v16 =	vand.u32 $0x7D, v16;
	v10 =	vmov s2;
	v8 =	vld [tilespmem:s0+$0xFFFFFF90]  }
0x274: {  	s1 =	simm.s32 $0x7;
	s23 =	simm.s32 $0x6;
	v22 =	vbroadcast v22, $0x0;
	v16 =	vbroadcast v16, $0x0;
	v10 =	vand.u32 $0x78, v10;
	v12 =	vld [tilespmem:s0+$0xFFFFFFA0]  }
0x275: {  	v13 =	vbroadcast v10, $0x0;
	v10 =	vmov s23;
	v9 =	vmov s1;
	v18 =	vld [tilespmem:s0+$0xFFFFFFB0]  }
0x276: {  	s7 =	simm.s32 $0xF;
	v22 =	vor.u32 v6, v22;
	v26 =	vand.u32 $0x76, v10;
	v9 =	vand.u32 $0x77, v9  }
0x277: {  	v15 =	vbroadcast v9, $0x0;
	v9 =	vld [tilespmem:s0+$0xFFFFFFC0];
	v11 =	vadd.s32 v11, v7;
	v7 =	vor.u32 s7, v6;
	s7 =	simm.s32 $0x4  }
0x278: {  	v19 =	vld [tilespmem:s0+$0xFFFFFFD0];
	v21 =	vshll.u32 v11, $0x5;
	v8 =	vadd.s32 v11, v8;
	v28 =	vmov s7  }
0x279: {  	v11 =	vld [tilespmem:s0+$0xFFFFFFE0];
	v23 =	vshll.u32 v8, $0x5;
	v8 =	vadd.s32 v8, v12;
	v33 =	vor.u32 v4, v21  }
0x27a: {  	v12 =	vld [tilespmem:s0+$0xFFFFFFF0];
	v24 =	vshll.u32 v8, $0x5;
	v8 =	vadd.s32 v8, v18;
	v18 =	vand.u32 $0x75, v20  }
0x27b: {  	v20 =	vld [tilespmem:s0+$0x0];
	v35 =	vor.u32 v0, v23;
	v23 =	vor.u32 v4, v23;
	v25 =	vshll.u32 v8, $0x5  }
0x27c: {  	v10 =	vld [tilespmem:s0+$0x10];
	v8 =	vadd.s32 v8, v9;
	v37 =	vor.u32 v0, v24;
	v24 =	vor.u32 v4, v24  }
0x27d: {  	v9 =	vshll.u32 v8, $0x5;
	v19 =	vadd.s32 v8, v19;
	v8 =	vbroadcast v18, $0x0;
	v18 =	vld [tilespmem:s0+$0x20]  }
0x27e: {  	v29 =	vld [tilespmem:s0+$0x30];
	v27 =	vor.u32 v4, v9;
	v11 =	vadd.s32 v19, v11;
	v30 =	vor.u32 v0, v9  }
0x27f: {  	v31 =	vld [tilespmem:s0+$0x40];
	v9 =	vand.u32 $0x74, v28;
	v19 =	vshll.u32 v19, $0x5;
	v12 =	vadd.s32 v11, v12  }
0x280: {  	v8 =	vor.u32 v6, v8;
	v11 =	vshll.u32 v11, $0x5;
	v20 =	vadd.s32 v12, v20  }
0x281: {  	v9 =	vbroadcast v9, $0x0;
	v47 =	vor.u32 v0, v19;
	v10 =	vadd.s32 v20, v10  }
0x282: {  	v28 =	vld [tilespmem:s0+$0x50];
	v19 =	vor.u32 v4, v19;
	v34 =	vshll.u32 v10, $0x5;
	v10 =	vadd.s32 v10, v18  }
0x283: {  	v32 =	vor.u32 v4, v11;
	v12 =	vshll.u32 v12, $0x5;
	v29 =	vadd.s32 v10, v29  }
0x284: {  	v11 =	vor.u32 v0, v11;
	v36 =	vshll.u32 v10, $0x5;
	v10 =	vadd.s32 v29, v31;
	v31 =	vld [tilespmem:s0+$0x60]  }
0x285: {  	v20 =	vshll.u32 v20, $0x5;
	v43 =	vor.u32 v0, v12;
	v12 =	vor.u32 v4, v12  }
0x286: {  	v44 =	vld [tilespmem:s0+$0x70];
	v18 =	vor.u32 v0, v21;
	v42 =	vor.u32 v0, v20;
	v20 =	vor.u32 v4, v20  }
0x287: {  	v33 =	vld.idx.msk [tilespmem:v33+s17+$0x0], $0xffff;
	v21 =	vor.u32 v0, v34;
	v38 =	vshll.u32 v10, $0x5;
	v10 =	vadd.s32 v10, v28  }
0x288: {  	v23 =	vld.idx.msk [tilespmem:v23+s17+$0x0], $0xffff;
	v34 =	vor.u32 v4, v34;
	v29 =	vshll.u32 v29, $0x5;
	v40 =	vshll.u32 v10, $0x5  }
0x289: {  	v35 =	vld.idx.msk [tilespmem:v35+s17+$0x0], $0xffff;
	v10 =	vadd.s32 v10, v31;
	v31 =	vmul.f32 v17, v5;
	v17 =	vadd.f32 $7.812500000e-03, v17  }
0x28a: {  	v24 =	vld.idx.msk [tilespmem:v24+s17+$0x0], $0xffff;
	v45 =	vor.u32 v0, v36;
	v28 =	vor.u32 v4, v25;
	v25 =	vor.u32 v0, v25  }
0x28b: {  	v46 =	vor.u32 v0, v29;
	v50 =	vld.idx.msk [tilespmem:v18+s17+$0x0], $0xffff;
	v18 =	vmul.f32 v17, v5;
	v17 =	vadd.f32 $7.812500000e-03, v17  }
0x28c: {  	v27 =	vld.idx.msk [tilespmem:v27+s17+$0x0], $0xffff;
	v29 =	vor.u32 v4, v29;
	v39 =	vor.u32 v4, v38;
	v38 =	vor.u32 v0, v38  }
0x28d: {  	v56 =	vld.idx.msk [tilespmem:v12+s17+$0x0], $0xffff;
	v12 =	vbroadcast v26, $0x0;
	v51 =	vmul.f32 v17, v5;
	v17 =	vadd.f32 $7.812500000e-03, v17  }
0x28e: {  	v30 =	vld.idx.msk [tilespmem:v30+s17+$0x0], $0xffff;
	v26 =	vor.u32 v4, v36;
	v41 =	vor.u32 v4, v40;
	v40 =	vor.u32 v0, v40  }
0x28f: {  	v28 =	vld.idx.msk [tilespmem:v28+s17+$0x0], $0xffff;
	v23 =	vmul.f32 v23, v18;
	v18 =	vmul.f32 v17, v5;
	v17 =	vadd.f32 $7.812500000e-03, v17  }
0x290: {  	v32 =	vld.idx.msk [tilespmem:v32+s17+$0x0], $0xffff;
	v63 =	vor.u32 v6, v12;
	v49 =	vshll.u32 v10, $0x5;
	v10 =	vadd.s32 v10, v44  }
0x291: {  	s21 =	simm.s32 $0x1;
	v44 =	vbroadcast v59, $0x0;
	v25 =	vld.idx.msk [tilespmem:v25+s17+$0x0], $0xffff;
	v55 =	vmul.f32 v17, v5;
	v17 =	vadd.f32 $7.812500000e-03, v17  }
0x292: {  	v62 =	vld.idx.msk [tilespmem:v11+s17+$0x0], $0xffff;
	v59 =	vmov s21;
	v31 =	vmul.f32 v33, v31;
	v33 =	vand.u32 $0x7A, v58  }
0x293: {  	v43 =	vld.idx.msk [tilespmem:v43+s17+$0x0], $0xffff;
	v60 =	vshll.u32 v10, $0x5;
	v27 =	vmul.f32 v27, v55;
	v61 =	vadd.f32 $7.812500000e-03, v17  }
0x294: {  	s11 =	simm.s32 $0x2;
	v20 =	vld.idx.msk [tilespmem:v20+s17+$0x0], $0xffff;
	v53 =	vor.u32 v0, v49;
	v49 =	vor.u32 v4, v49;
	v18 =	vmul.f32 v28, v18  }
0x295: {  	v42 =	vld.idx.msk [tilespmem:v42+s17+$0x0], $0xffff;
	v58 =	vmov s11;
	v11 =	vadd.f32 v27, v30;
	v27 =	vadd.f32 $7.812500000e-03, v61  }
0x296: {  	v34 =	vld.idx.msk [tilespmem:v34+s17+$0x0], $0xffff;
	v33 =	vbroadcast v33, $0x0;
	v54 =	vor.u32 v4, v60;
	v12 =	vadd.f32 v18, v25  }
0x297: {  	v21 =	vld.idx.msk [tilespmem:v21+s17+$0x0], $0xffff;
	v30 =	vmul.f32 v17, v5;
	v17 =	vmul.f32 v61, v5;
	v25 =	vadd.f32 $7.812500000e-03, v27  }
0x298: {  	v29 =	vld.idx.msk [tilespmem:v29+s17+$0x0], $0xffff;
	v48 =	vor.u32 v0, v60;
	v33 =	vor.u32 v6, v33;
	v18 =	vmul.f32 v27, v5  }
0x299: {  	v39 =	vld.idx.msk [tilespmem:v39+s17+$0x0], $0xffff;
	v17 =	vmul.f32 v32, v17;
	v27 =	vmul.f32 v25, v5;
	v25 =	vadd.f32 $7.812500000e-03, v25  }
0x29a: {  	v24 =	vmul.f32 v24, v51;
	v55 =	vld.idx.msk [tilespmem:v19+s17+$0x0], $0xffff;
	v19 =	vor.u32 v6, v15;
	v18 =	vmul.f32 v56, v18  }
0x29b: {  	s22 =	simm.s32 $0x0;
	v26 =	vld.idx.msk [tilespmem:v26+s17+$0x0], $0xffff;
	v36 =	vadd.f32 v17, v62;
	v17 =	vmul.f32 v25, v5;
	v25 =	vadd.f32 $7.812500000e-03, v25  }
0x29c: {  	v40 =	vld.idx.msk [tilespmem:v40+s17+$0x0], $0xffff;
	v15 =	vor.u32 v6, v13;
	v61 =	vmov s22;
	v32 =	vand.u32 $0x72, v58  }
0x29d: {  	v43 =	vadd.f32 v18, v43;
	v18 =	vld.idx.msk [tilespmem:v45+s17+$0x0], $0xffff;
	v56 =	vmul.f32 v20, v27;
	v60 =	vadd.f32 $7.812500000e-03, v25  }
0x29e: {  	v45 =	vand.u32 $0x71, v59;
	[tilespmem:v63+s20+$0x0] =	vst.idx.msk $0xffff, v36;
	v34 =	vmul.f32 v34, v17;
	v20 =	vmul.f32 v25, v5  }
0x29f: {  	v28 =	vld.idx.msk [tilespmem:v37+s17+$0x0], $0xffff;
	v25 =	vbroadcast v32, $0x0;
	[tilespmem:v19+s20+$0x0] =	vst.idx.msk $0xffff, v43;
	v19 =	vadd.f32 v31, v50;
	v27 =	vadd.f32 $7.812500000e-03, v60  }
0x2a0: {  	v62 =	vld.idx.msk [tilespmem:v41+s17+$0x0], $0xffff;
	v21 =	vadd.f32 v34, v21;
	v20 =	vmul.f32 v26, v20;
	v34 =	vor.u32 v6, v44  }
0x2a1: {  	v17 =	vld.idx.msk [tilespmem:v38+s17+$0x0], $0xffff;
	v41 =	vmul.f32 v60, v5;
	v38 =	vmul.f32 v27, v5;
	v27 =	vadd.f32 $7.812500000e-03, v27  }
0x2a2: {  	v26 =	vld.idx.msk [tilespmem:v46+s17+$0x0], $0xffff;
	v31 =	vor.u32 v6, v25;
	v60 =	vand.u32 $0x70, v61;
	v20 =	vadd.f32 v20, v18  }
0x2a3: {  	v18 =	vor.u32 v6, v52;
	[tilespmem:v22+s20+$0x0] =	vst.idx.msk $0xffff, v21;
	v63 =	vmul.f32 v27, v5;
	v27 =	vadd.f32 $7.812500000e-03, v27  }
0x2a4: {  	v52 =	vld.idx.msk [tilespmem:v54+s17+$0x0], $0xffff;
	v21 =	vadd.f32 v23, v35;
	[tilespmem:v33+s20+$0x0] =	vst.idx.msk $0xffff, v20;
	v20 =	vadd.f32 v24, v28  }
0x2a5: {  	v57 =	vld.idx.msk [tilespmem:v49+s17+$0x0], $0xffff;
	v24 =	vmul.f32 v29, v41;
	v23 =	vmul.f32 v39, v38;
	v58 =	vadd.f32 $7.812500000e-03, v27  }
0x2a6: {  	s23 =	simm.s32 $0x3;
	v59 =	vld.idx.msk [tilespmem:v48+s17+$0x0], $0xffff;
	v61 =	vor.u32 v6, v16;
	v29 =	vbroadcast v45, $0x0;
	v25 =	vmul.f32 v62, v63  }
0x2a7: {  	v54 =	vmov s23;
	v22 =	vld.idx.msk [tilespmem:v53+s17+$0x0], $0xffff;
	v27 =	vmul.f32 v27, v5;
	v62 =	vmul.f32 v58, v5  }
0x2a8: {  	[tilespmem:v31+s20+$0x0] =	vst.idx.msk $0xffff, v20;
	v31 =	vadd.f32 v24, v26;
	v63 =	vand.u32 $0x73, v54;
	v24 =	vmul.f32 v55, v30  }
0x2a9: {  	v20 =	vor.u32 v6, v29;
	v40 =	vadd.f32 v25, v40;
	v28 =	vmul.f32 v52, v62  }
0x2aa: {  	v13 =	vld.idx.msk [tilespmem:v47+s17+$0x0], $0xffff;
	v29 =	vadd.f32 v56, v42;
	v16 =	vadd.f32 $7.812500000e-03, v58;
	v25 =	vbroadcast v60, $0x0;
	[tilespmem:v34+s20+$0x0] =	vst.idx.msk $0xffff, v31  }
0x2ab: {  	s29 =	simm.s32 $0x10;
	s30 =	simm.s32 $0x18E80;
	v27 =	vmul.f32 v57, v27;
	[tilespmem:v61+s20+$0x0] =	vst.idx.msk $0xffff, v40;
	v26 =	vadd.f32 v28, v59;
	v28 =	vbroadcast v63, $0x0  }
.LBB2_16:
0x2ac: {  	s6 =	sadd.s32 $0x7, s29  }
0x2ad: {  	v30 =	vld [tilespmem:s30+$0xFFFFFF80];
	s7 =	sadd.s32 $0x8, s29;
	s9 =	sadd.s32 $0x9, s29;
	v25 =	vor.u32 v6, v25;
	v9 =	vor.u32 v6, v9;
	v22 =	vadd.f32 v27, v22;
	s1 =	smov.u32 s29  }
0x2ae: {  	s0 =	sadd.s32 $0x3, s29;
	s2 =	sadd.s32 $0x4, s29;
	v27 =	vld [tilespmem:s30+$0xFFFFFF90];
	v31 =	vmov s6;
	v32 =	vmov s7;
	s7 =	sadd.s32 $0xF, s29;
	v28 =	vor.u32 v6, v28;
	[tilespmem:v15+s20+$0x0] =	vst.idx.msk $0xffff, v29  }
0x2af: {  	s10 =	sadd.s32 $0x6, s29;
	s11 =	sadd.s32 $0xE, s29;
	v23 =	vadd.f32 v23, v17;
	s6 =	sadd.s32 $0x2, s29;
	v29 =	vld [tilespmem:s30+$0xFFFFFFA0];
	v15 =	vand.u32 $0x77, v31;
	v31 =	vand.u32 $0x78, v32;
	[tilespmem:v14+s20+$0x0] =	vst.idx.msk $0xffff, v22  }
0x2b0: {  	p0 =	slt.u32 s29, $0x70;
	v13 =	vadd.f32 v24, v13;
	s21 =	sadd.s32 $0x5, s1;
	s29 =	sadd.s32 $0x10, s29;
	v32 =	vld [tilespmem:s30+$0xFFFFFFB0];
	v17 =	vbroadcast v15, $0x0;
	v15 =	vbroadcast v31, $0x0;
	[tilespmem:v7+s20+$0x0] =	vst.idx.msk $0xffff, v26  }
0x2b1: {  	v22 =	vmov s9;
	s9 =	sadd.s32 $0xD, s1;
	v14 =	vmov s11;
	v26 =	vmov s10;
	v24 =	vld [tilespmem:s30+$0xFFFFFFC0]  }
0x2b2: {  	v31 =	vmov s21;
	v7 =	vor.u32 s7, v6;
	v10 =	vadd.s32 v10, v30;
	v30 =	vld [tilespmem:s30+$0xFFFFFFD0];
	[tilespmem:v18+s20+$0x0] =	vst.idx.msk $0xffff, v23  }
0x2b3: {  	v22 =	vand.u32 $0x79, v22;
	v23 =	vshll.u32 v10, $0x5;
	v10 =	vadd.s32 v10, v27;
	v27 =	vld [tilespmem:s30+$0xFFFFFFE0];
	[tilespmem:v8+s20+$0x0] =	vst.idx.msk $0xffff, v13  }
0x2b4: {  	v18 =	vmov s9;
	v13 =	vshll.u32 v10, $0x5;
	v8 =	vadd.s32 v10, v29;
	v10 =	vld [tilespmem:s30+$0xFFFFFFF0];
	[tilespmem:v20+s20+$0x0] =	vst.idx.msk $0xffff, v21  }
0x2b5: {  	v20 =	vand.u32 $0x75, v31;
	v33 =	vshll.u32 v8, $0x5;
	v8 =	vadd.s32 v8, v32;
	v21 =	vld [tilespmem:s30+$0x0];
	[tilespmem:v9+s20+$0x0] =	vst.idx.msk $0xffff, v11  }
0x2b6: {  	v11 =	vand.u32 $0x76, v26;
	v31 =	vshll.u32 v8, $0x5;
	v8 =	vadd.s32 v8, v24;
	v24 =	vld [tilespmem:s30+$0x10];
	[tilespmem:v28+s20+$0x0] =	vst.idx.msk $0xffff, v12  }
0x2b7: {  	v9 =	vshll.u32 v8, $0x5;
	v12 =	vadd.s32 v8, v30;
	v8 =	vbroadcast v20, $0x0;
	v20 =	vld [tilespmem:s30+$0x20];
	[tilespmem:v25+s20+$0x0] =	vst.idx.msk $0xffff, v19  }
0x2b8: {  	v25 =	vmov s2;
	v19 =	vor.u32 v4, v9;
	v26 =	vadd.s32 v12, v27;
	v27 =	vld [tilespmem:s30+$0x30]  }
0x2b9: {  	v30 =	vor.u32 v0, v9;
	v8 =	vor.u32 v6, v8;
	v10 =	vadd.s32 v26, v10;
	v28 =	vld [tilespmem:s30+$0x40]  }
0x2ba: {  	v9 =	vand.u32 $0x74, v25;
	v26 =	vshll.u32 v26, $0x5;
	v21 =	vadd.s32 v10, v21;
	v25 =	vld [tilespmem:s30+$0x50]  }
0x2bb: {  	v9 =	vbroadcast v9, $0x0;
	v32 =	vor.u32 v4, v26;
	v24 =	vadd.s32 v21, v24;
	v34 =	vld [tilespmem:s30+$0x60]  }
0x2bc: {  	v35 =	vor.u32 v4, v23;
	v36 =	vshll.u32 v24, $0x5;
	v20 =	vadd.s32 v24, v20  }
0x2bd: {  	v23 =	vor.u32 v0, v23;
	v29 =	vor.u32 v0, v36;
	v24 =	vor.u32 v4, v36;
	v36 =	vld [tilespmem:s30+$0x70]  }
0x2be: {  	v37 =	vor.u32 v0, v13;
	v21 =	vshll.u32 v21, $0x5;
	v38 =	vadd.s32 v20, v27  }
0x2bf: {  	v13 =	vor.u32 v4, v13;
	v39 =	vshll.u32 v20, $0x5;
	v20 =	vadd.s32 v38, v28  }
0x2c0: {  	v28 =	vor.u32 v0, v33;
	v40 =	vshll.u32 v20, $0x5;
	v20 =	vadd.s32 v20, v25  }
0x2c1: {  	v41 =	vor.u32 v4, v31;
	v42 =	vor.u32 v4, v40;
	v25 =	vshll.u32 v20, $0x5;
	v35 =	vld.idx.msk [tilespmem:v35+s17+$0x0], $0xffff  }
0x2c2: {  	v12 =	vshll.u32 v12, $0x5;
	v10 =	vshll.u32 v10, $0x5;
	v27 =	vor.u32 v4, v25  }
0x2c3: {  	v31 =	vor.u32 v0, v31;
	v44 =	vor.u32 v0, v21;
	v25 =	vor.u32 v0, v25;
	v43 =	vld.idx.msk [tilespmem:v19+s17+$0x0], $0xffff  }
0x2c4: {  	v45 =	vor.u32 v0, v26;
	v46 =	vor.u32 v0, v10;
	v40 =	vor.u32 v0, v40;
	v19 =	vld.idx.msk [tilespmem:v23+s17+$0x0], $0xffff  }
0x2c5: {  	v47 =	vor.u32 v4, v21;
	v38 =	vshll.u32 v38, $0x5;
	v34 =	vadd.s32 v20, v34;
	v13 =	vld.idx.msk [tilespmem:v13+s17+$0x0], $0xffff  }
0x2c6: {  	v48 =	vor.u32 v0, v39;
	v49 =	vor.u32 v0, v38;
	v23 =	vmul.f32 v16, v5;
	v20 =	vld.idx.msk [tilespmem:v42+s17+$0x0], $0xffff  }
0x2c7: {  	v42 =	vor.u32 v4, v10;
	v21 =	vld.idx.msk [tilespmem:v37+s17+$0x0], $0xffff;
	v37 =	vor.u32 v0, v12;
	v12 =	vor.u32 v4, v12  }
0x2c8: {  	s7 =	sadd.s32 $0xB, s1;
	s2 =	sadd.s32 $0xA, s1;
	v26 =	vmul.f32 v35, v23;
	v10 =	vadd.f32 $7.812500000e-03, v16;
	v16 =	vor.u32 v4, v33;
	v33 =	vld.idx.msk [tilespmem:v41+s17+$0x0], $0xffff  }
0x2c9: {  	v50 =	vshll.u32 v34, $0x5;
	v41 =	vmov s7;
	v35 =	vld.idx.msk [tilespmem:v24+s17+$0x0], $0xffff;
	v24 =	vmov s2  }
0x2ca: {  	v51 =	vmul.f32 v10, v5;
	v52 =	vadd.f32 $7.812500000e-03, v10;
	v10 =	vadd.s32 v34, v36;
	v23 =	vld.idx.msk [tilespmem:v28+s17+$0x0], $0xffff  }
0x2cb: {  	v34 =	vshll.u32 v10, $0x5;
	v28 =	vand.u32 $0x7A, v24;
	v24 =	vand.u32 $0x7B, v41;
	v31 =	vld.idx.msk [tilespmem:v31+s17+$0x0], $0xffff  }
0x2cc: {  	s2 =	sadd.s32 $0xC, s1;
	v36 =	vmul.f32 v52, v5;
	v41 =	vadd.f32 $7.812500000e-03, v52;
	v52 =	vbroadcast v24, $0x0  }
0x2cd: {  	v54 =	vor.u32 v0, v50;
	v53 =	vmov s2;
	v24 =	vld.idx.msk [tilespmem:v12+s17+$0x0], $0xffff;
	v12 =	vbroadcast v28, $0x0  }
0x2ce: {  	v28 =	vmul.f32 v13, v51;
	v51 =	vmul.f32 v41, v5;
	v41 =	vadd.f32 $7.812500000e-03, v41;
	v30 =	vld.idx.msk [tilespmem:v30+s17+$0x0], $0xffff  }
0x2cf: {  	v13 =	vld.idx.msk [tilespmem:v37+s17+$0x0], $0xffff;
	v37 =	vor.u32 v6, v12;
	v12 =	vand.u32 $0x7C, v53;
	v53 =	vor.u32 v4, v34  }
0x2d0: {  	v38 =	vor.u32 v4, v38;
	v55 =	vmul.f32 v41, v5;
	v41 =	vadd.f32 $7.812500000e-03, v41;
	v16 =	vld.idx.msk [tilespmem:v16+s17+$0x0], $0xffff  }
0x2d1: {  	v22 =	vbroadcast v22, $0x0;
	v50 =	vor.u32 v4, v50;
	v56 =	vbroadcast v12, $0x0;
	v32 =	vld.idx.msk [tilespmem:v32+s17+$0x0], $0xffff  }
0x2d2: {  	v34 =	vor.u32 v0, v34;
	v12 =	vmul.f32 v43, v55;
	v43 =	vadd.f32 $7.812500000e-03, v41;
	v42 =	vld.idx.msk [tilespmem:v42+s17+$0x0], $0xffff  }
0x2d3: {  	v22 =	vor.u32 v6, v22;
	v39 =	vor.u32 v4, v39;
	v55 =	vbroadcast v11, $0x0;
	v45 =	vld.idx.msk [tilespmem:v45+s17+$0x0], $0xffff  }
0x2d4: {  	v33 =	vmul.f32 v33, v51;
	v11 =	vadd.f32 v12, v30;
	v30 =	vadd.f32 $7.812500000e-03, v43;
	v47 =	vld.idx.msk [tilespmem:v47+s17+$0x0], $0xffff  }
0x2d5: {  	v41 =	vmul.f32 v41, v5;
	v43 =	vmul.f32 v43, v5;
	v51 =	vor.u32 v6, v55;
	v46 =	vld.idx.msk [tilespmem:v46+s17+$0x0], $0xffff  }
0x2d6: {  	v12 =	vadd.f32 v33, v31;
	v31 =	vmul.f32 v30, v5;
	v30 =	vadd.f32 $7.812500000e-03, v30;
	v33 =	vld.idx.msk [tilespmem:v44+s17+$0x0], $0xffff  }
0x2d7: {  	v36 =	vmul.f32 v16, v36;
	v16 =	vmul.f32 v32, v43;
	v32 =	vor.u32 v6, v17;
	v29 =	vld.idx.msk [tilespmem:v29+s17+$0x0], $0xffff  }
0x2d8: {  	v31 =	vmul.f32 v42, v31;
	v42 =	vmul.f32 v30, v5;
	v17 =	vadd.f32 $7.812500000e-03, v30  }
0x2d9: {  	v15 =	vor.u32 v6, v15;
	v30 =	vmov s6;
	v16 =	vadd.f32 v16, v45;
	v39 =	vld.idx.msk [tilespmem:v39+s17+$0x0], $0xffff  }
0x2da: {  	s2 =	sadd.s32 $0x1, s1;
	v30 =	vand.u32 $0x72, v30;
	v43 =	vmul.f32 v17, v5;
	v44 =	vadd.f32 $7.812500000e-03, v17;
	v17 =	vld.idx.msk [tilespmem:v40+s17+$0x0], $0xffff  }
0x2db: {  	v18 =	vand.u32 $0x7D, v18;
	v40 =	vmov s2;
	[tilespmem:v51+s20+$0x0] =	vst.idx.msk $0xffff, v16;
	v16 =	vadd.f32 v31, v46;
	v31 =	vld.idx.msk [tilespmem:v48+s17+$0x0], $0xffff  }
0x2dc: {  	v40 =	vand.u32 $0x71, v40;
	v35 =	vmul.f32 v35, v43;
	v43 =	vadd.f32 $7.812500000e-03, v44;
	v27 =	vld.idx.msk [tilespmem:v27+s17+$0x0], $0xffff  }
0x2dd: {  	v45 =	vmov s1;
	[tilespmem:v32+s20+$0x0] =	vst.idx.msk $0xffff, v16;
	v32 =	vmul.f32 v47, v42;
	v16 =	vmul.f32 v44, v5  }
0x2de: {  	v30 =	vbroadcast v30, $0x0;
	v29 =	vadd.f32 v35, v29;
	v42 =	vadd.f32 $7.812500000e-03, v43;
	v35 =	vld.idx.msk [tilespmem:v49+s17+$0x0], $0xffff  }
0x2df: {  	v14 =	vand.u32 $0x7E, v14;
	v16 =	vmul.f32 v39, v16;
	v39 =	vor.u32 v6, v52;
	v25 =	vld.idx.msk [tilespmem:v25+s17+$0x0], $0xffff  }
0x2e0: {  	[tilespmem:v22+s20+$0x0] =	vst.idx.msk $0xffff, v29;
	v29 =	vld.idx.msk [tilespmem:v38+s17+$0x0], $0xffff;
	v38 =	vmul.f32 v42, v5;
	v22 =	vadd.f32 $7.812500000e-03, v42;
	v42 =	vbroadcast v18, $0x0  }
0x2e1: {  	v18 =	vor.u32 v6, v56;
	v16 =	vadd.f32 v16, v31;
	v31 =	vmul.f32 v43, v5;
	v43 =	vld.idx.msk [tilespmem:v50+s17+$0x0], $0xffff  }
0x2e2: {  	v14 =	vbroadcast v14, $0x0;
	v44 =	vmul.f32 v22, v5;
	v46 =	vadd.f32 $7.812500000e-03, v22;
	v47 =	vld.idx.msk [tilespmem:v53+s17+$0x0], $0xffff  }
0x2e3: {  	v19 =	vadd.f32 v26, v19;
	v26 =	vor.u32 v6, v30;
	v30 =	vmov s0;
	[tilespmem:v37+s20+$0x0] =	vst.idx.msk $0xffff, v16;
	v22 =	vld.idx.msk [tilespmem:v54+s17+$0x0], $0xffff  }
0x2e4: {  	v14 =	vor.u32 v6, v14;
	v16 =	vmul.f32 v27, v44;
	v27 =	vadd.f32 $7.812500000e-03, v46;
	v34 =	vld.idx.msk [tilespmem:v34+s17+$0x0], $0xffff  }
0x2e5: {  	v42 =	vor.u32 v6, v42;
	v37 =	vand.u32 $0x70, v45;
	v44 =	vmul.f32 v46, v5  }
0x2e6: {  	v45 =	vadd.f32 v16, v25;
	v46 =	vmul.f32 v27, v5;
	v16 =	vadd.f32 $7.812500000e-03, v27  }
.Ltmp6:
0x2e7: {  	v29 =	vmul.f32 v29, v31;
	v25 =	vbroadcast v37, $0x0;
	v27 =	vadd.f32 v36, v23;
	(pc) =	sbr.rel @p0 .LBB2_16-.Ltmp6, $4  }
0x2e8: {  	v21 =	vadd.f32 v28, v21;
	v23 =	vmul.f32 v20, v38;
	v20 =	vmul.f32 v47, v46  }
0x2e9: {  	v28 =	vbroadcast v40, $0x0;
	v31 =	vadd.f32 v29, v35;
	[tilespmem:v26+s20+$0x0] =	vst.idx.msk $0xffff, v27;
	v27 =	vmul.f32 v43, v44  }
0x2ea: {  	v24 =	vmul.f32 v24, v41;
	v29 =	vand.u32 $0x73, v30;
	[tilespmem:v42+s20+$0x0] =	vst.idx.msk $0xffff, v45;
	v26 =	vadd.f32 v20, v34  }
0x2eb: {  	s30 =	sadd.s32 $0x100, s30;
	v20 =	vor.u32 v6, v28;
	v28 =	vbroadcast v29, $0x0;
	v29 =	vadd.f32 v32, v33;
	[tilespmem:v39+s20+$0x0] =	vst.idx.msk $0xffff, v31  }
0x2ec: {  	_ =	sdelay $0x3  }
0x2ed: {  	v5 =	vadd.f32 v27, v22;
	[tilespmem:v7+s20+$0x0] =	vst.idx.msk $0xffff, v26  }
0x2ee: {  	v9 =	vor.u32 v6, v9;
	[tilespmem:v20+s20+$0x0] =	vst.idx.msk $0xffff, v21  }
0x2ef: {  	v10 =	vadd.f32 v23, v17;
	s28 =	sadd.s32 $0x1, s28;
	[tilespmem:v14+s20+$0x0] =	vst.idx.msk $0xffff, v5;
	v5 =	vor.u32 v6, v28  }
0x2f0: {  	v13 =	vadd.f32 v24, v13;
	[tilespmem:v15+s20+$0x0] =	vst.idx.msk $0xffff, v29;
	p0 =	sne.s32 s28, $0x8;
	v6 =	vor.u32 v6, v25  }
.Ltmp7:
0x2f1: {  	[tilespmem:v18+s20+$0x0] =	vst.idx.msk $0xffff, v10;
	(pc) =	sbr.rel @p0 .LBB2_11-.Ltmp7, $4  }
0x2f2: {  	[tilespmem:v8+s20+$0x0] =	vst.idx.msk $0xffff, v13  }
0x2f3: {  	[tilespmem:v9+s20+$0x0] =	vst.idx.msk $0xffff, v11  }
0x2f4: {  	[tilespmem:v5+s20+$0x0] =	vst.idx.msk $0xffff, v12  }
0x2f5: {  	[tilespmem:v6+s20+$0x0] =	vst.idx.msk $0xffff, v19  }
0x2f6: {  	s24 =	sadd.s32 $0x1, s24  }
0x2f7: {  	p0 =	sne.s32 s24, $0x8  }
.Ltmp8:
0x2f8: {  	_ = 	snop;
	(pc) =	sbr.rel @p0 .LBB2_2-.Ltmp8, $4  }
0x2f9: {  	s0 =	sshll.u32 s25, $0xB  }
0x2fa: {  	s0 =	sand.u32 $0x1FFFF800, s0  }
0x2fb: {  	s0 =	sadd.s32 s31, s0  }
0x2fc: {  	[hbm4b:s0+s3] =	stream.linear.scatter [tilespmem:s20], [sflag:$0x4], $0x4000, $0x38;
	[tilespmem:$0x19580] =	vst v63  }
0x2fd: {  	s0 =	simm.s32 $0x3  }
0x2fe: {  	_ =	swait.ge [sflag:s0], $0x4000  }
0x2ff: {  	[sflag:s0] =	ssyncset.done $0x0  }
0x300: {  	s1 =	simm.s32 $0x4;
	[sflag:s0] =	ssyncadd.s32 $0xFFFFC000  }
0x301: {  	_ =	swait.ge [sflag:s1], $0x4000  }
0x302: {  	s2 =	rddreg [dreg:$0x9]  }
0x303: {  	s30 =	rddreg [dreg:$0x8];
	s2 =	sadd.s32 $0x1, s2  }
0x304: {  	p0 =	sne.s32 s2, s30  }
.Ltmp9:
0x305: {  	_ = 	snop;
	(pc) =	sbr.rel @p0 .LBB2_1-.Ltmp9, $3  }
0x306: {  	_ =	sdelay $0x1  }
0x307: {  	[sflag:s1] =	ssyncset.done $0x0  }
0x308: {  	[sflag:s1] =	ssyncadd.s32 $0xFFFFC000  }
0x309: {  	_ =	sfence.sel $0x180000  }
0x30a: {  	[bflag:$0x0] =	sbarrier.arrive $0xFFFF  }
0x30b: {  	_ =	strace $0x90000047  }
0x30c: {  	s0 =	stileid.u32;
	[bflag:$0x2] =	sbarrier.arrive $0xFFFF  }
0x30d: {  	p0 =	sne.s32 s0, $0x0;
	s0 =	rddreg [dreg:$0x2]  }
0x30e: {  	s0 =	sadd.s32 @!p0 $0x100000, s0  }
0x30f: {  	[sflag:s0] =	ssyncadd.tile.s32 @!p0 $0x1;
	_ =	shalt  }
.Lfunc_end2:
_tile_overlayer_lowered:
.L_overlay_start_2:
0x310: {  	(tag) =	ssettag $0x2  }
0x311: {  	s0 =	rddreg [dreg:$0x0];
	s2 =	stileid.u32  }
0x312: {  	s1 =	rddreg [dreg:$0x1];
	p0 =	sne.s32 s2, $0x0  }
0x313: {  	s3 =	rddreg [dreg:$0x2];
	[bflag:$0x3] =	sbarrier.arrive $0xFFFF;
	s2 =	simm.s32 @!p0 $0x1C05  }
0x314: {  	[timem:s3], [sflag:s2] =	dma.local @!p0 [hbm:s0], s1  }
0x315: {  	s0 =	simm.s32 @!p0 $0x5  }
0x316: {  	_ =	swait.ge @!p0 [sflag:s0], s1  }
0x317: {  	s1 =	ssub.s32 @!p0 $0x0, s1;
	[sflag:s0] =	ssyncset.done @!p0 $0x0  }
0x318: {  	[sflag:s0] =	ssyncadd.s32 @!p0 s1  }
0x319: {  	[bflag:$0x3] =	sbarrier.arrive $0xFFFF  }
0x31a: {  	_ =	shalt  }

</sc_bundles>
